<compile_context>
chip_gen: v7x
topology: tpu7x:2x2x1
jax: 0.10.2.dev20260603
libtpu: 0.0.44.dev20260713+nightly
codegen_flags: <defaults>
</compile_context>

<pallas_src>
import jax
import jax.numpy as jnp
from jax import lax
from jax.experimental import pallas as pl
from jax.experimental.pallas import tpu as pltpu
from jax.experimental.pallas import tpu_sc as plsc
from jax._src.pallas import mpmd as _mpmd

B = 16384
D = 32
N = 1000000
C = 10000
NC = 2
NS = 16
NW = NC * NS
BPW = B // NW
R = 31264
NPAD = NW * R
CP = 10240
CC = 1280
NCH = CP // CC
BB = 1024
NBB = B // BB

_mesh = plsc.VectorSubcoreMesh(core_axis_name="c", subcore_axis_name="s")
_sc_params = pltpu.CompilerParams(needs_layout_passes=False,
                                  use_tc_tiling_on_sc=False)


def _sc_gather_body(ind_hbm, fbank_hbm, lbank_hbm,
                    fold_hbm, lold_hbm,
                    idx_v, fold_v, lold_v, sem):
    wid = lax.axis_index("s") * NC + lax.axis_index("c")
    base = wid * BPW
    pltpu.sync_copy(ind_hbm.at[pl.ds(base, BPW)], idx_v)
    pltpu.async_copy(fbank_hbm.at[idx_v], fold_v, sem).wait()
    pltpu.sync_copy(fold_v, fold_hbm.at[pl.ds(base, BPW)])
    pltpu.async_copy(lbank_hbm.at[idx_v], lold_v, sem).wait()
    pltpu.sync_copy(lold_v, lold_hbm.at[pl.ds(base, BPW)])


_sc_gather = pl.kernel(
    _sc_gather_body,
    out_type=(
        jax.ShapeDtypeStruct((B, D), jnp.float32),
        jax.ShapeDtypeStruct((B,), jnp.int32),
    ),
    mesh=_mesh,
    scratch_types=[
        pltpu.VMEM((BPW,), jnp.int32),
        pltpu.VMEM((BPW, D), jnp.float32),
        pltpu.VMEM((BPW,), jnp.int32),
        pltpu.SemaphoreType.DMA,
    ],
    compiler_params=_sc_params,
)


def _sc_winner_body(ind_hbm, pos_hbm, ind_all, table, sem):
    wid = lax.axis_index("s") * NC + lax.axis_index("c")

    lo = wid * R

    def init(i, _):
        table[pl.ds(i * 16, 16)] = jnp.full((16,), -1, jnp.int32)
        return 0
    lax.fori_loop(0, R // 16, init, 0)

    pltpu.sync_copy(ind_hbm, ind_all)
    lane = lax.iota(jnp.int32, 16)

    def scan(i, _):
        v = ind_all[pl.ds(i * 16, 16)]
        pos = i * 16 + lane
        inb = (v >= lo) & (v < lo + R)
        loc = jnp.where(inb, v - lo, 0)

        def attempt(_c):
            cur = plsc.load_gather(table, [loc])
            need = inb & (cur < pos)
            plsc.store_scatter(table, [loc], pos, mask=need)
            cur2 = plsc.load_gather(table, [loc])
            return jnp.any(inb & (cur2 < pos))

        lax.while_loop(lambda c: c, attempt, attempt(False))
        return 0
    lax.fori_loop(0, B // 16, scan, 0)

    pltpu.sync_copy(table, pos_hbm.at[pl.ds(lo, R)])


_sc_winner = pl.kernel(
    _sc_winner_body,
    out_type=jax.ShapeDtypeStruct((NPAD,), jnp.int32),
    mesh=_mesh,
    scratch_types=[
        pltpu.VMEM((B,), jnp.int32),
        pltpu.VMEM((R,), jnp.int32),
        pltpu.SemaphoreType.DMA,
    ],
    compiler_params=_sc_params,
)


def _tc_body(f_ref, fo_ref, ol_ref, cen_ref, fn2_ref, nl_ref, cnt_ref):
    b = pl.program_id(0)
    f = f_ref[...]
    fn = f / (jnp.sqrt(jnp.sum(f * f, axis=1, keepdims=True)) + 1e-10)
    fo = fo_ref[...]
    fnew = 0.5 * fo + 0.5 * fn
    fn2 = fnew / (jnp.sqrt(jnp.sum(fnew * fnew, axis=1, keepdims=True)) + 1e-10)
    fn2_ref[...] = fn2
    fn2b = fn2.astype(jnp.bfloat16)

    rmax = jnp.full((1, BB), -jnp.inf, jnp.float32)
    rarg = jnp.zeros((1, BB), jnp.int32)
    for c in range(NCH):
        cen = cen_ref[c * CC:(c + 1) * CC, :].astype(jnp.bfloat16)
        s = lax.dot_general(cen, fn2b, (((1,), (1,)), ((), ())),
                            preferred_element_type=jnp.float32)
        if (c + 1) * CC > C:
            io1 = lax.broadcasted_iota(jnp.int32, (CC, 1), 0) + c * CC
            s = jnp.where(io1 < C, s, -jnp.inf)
        cmax = jnp.max(s, axis=0, keepdims=True)
        io = lax.broadcasted_iota(jnp.int32, (CC, BB), 0) + c * CC
        cidx = jnp.min(jnp.where(s >= cmax, io, CP), axis=0, keepdims=True)
        upd = cmax > rmax
        rmax = jnp.where(upd, cmax, rmax)
        rarg = jnp.where(upd, cidx, rarg)
    nl_ref[...] = rarg.reshape(1, 1, BB)

    mism = jnp.sum((rarg != ol_ref[...].reshape(1, BB)).astype(jnp.float32))
    mism2 = mism.reshape(1, 1)

    @pl.when(b == 0)
    def _():
        cnt_ref[...] = mism2

    @pl.when(b != 0)
    def _():
        cnt_ref[...] = cnt_ref[...] + mism2


_tc_compute = pl.pallas_call(
    _tc_body,
    grid=(NBB,),
    in_specs=[
        pl.BlockSpec((BB, D), lambda b: (b, 0)),
        pl.BlockSpec((BB, D), lambda b: (b, 0)),
        pl.BlockSpec((1, 1, BB), lambda b: (b, 0, 0)),
        pl.BlockSpec((CP, D), lambda b: (0, 0)),
    ],
    out_specs=[
        pl.BlockSpec((BB, D), lambda b: (b, 0)),
        pl.BlockSpec((1, 1, BB), lambda b: (b, 0, 0)),
        pl.BlockSpec((1, 1), lambda b: (0, 0)),
    ],
    out_shape=[
        jax.ShapeDtypeStruct((B, D), jnp.float32),
        jax.ShapeDtypeStruct((NBB, 1, BB), jnp.int32),
        jax.ShapeDtypeStruct((1, 1), jnp.float32),
    ],
)


def _sc_post_body(ind_hbm, fn2_hbm, nl_hbm, pos_hbm, fb_in, lb_in,
                  fb_out, lb_out,
                  idx_v, w_v, vf_v, vl_v, sem):
    wid = lax.axis_index("s") * NC + lax.axis_index("c")
    base = wid * BPW
    pltpu.sync_copy(ind_hbm.at[pl.ds(base, BPW)], idx_v)
    pltpu.async_copy(pos_hbm.at[idx_v], w_v, sem).wait()
    pltpu.async_copy(fn2_hbm.at[w_v], vf_v, sem).wait()
    pltpu.async_copy(nl_hbm.at[w_v], vl_v, sem).wait()
    pltpu.async_copy(vf_v, fb_out.at[idx_v], sem).wait()
    pltpu.async_copy(vl_v, lb_out.at[idx_v], sem).wait()


_sc_post = _mpmd._mpmd_map(
    [(_mesh, _sc_post_body)],
    (
        jax.ShapeDtypeStruct((N, D), jnp.float32),
        jax.ShapeDtypeStruct((N,), jnp.int32),
    ),
    input_output_aliases={4: 0, 5: 1},
    scratch_types=[
        pltpu.VMEM((BPW,), jnp.int32),
        pltpu.VMEM((BPW,), jnp.int32),
        pltpu.VMEM((BPW, D), jnp.float32),
        pltpu.VMEM((BPW,), jnp.int32),
        pltpu.SemaphoreType.DMA,
    ],
    compiler_params=_sc_params,
)


def kernel(ind, feature, feature_bank, label_bank, centroids):
    fold, lold = _sc_gather(ind, feature_bank, label_bank)
    posb = _sc_winner(ind)
    cen_pad = jnp.concatenate(
        [centroids, jnp.zeros((CP - C, D), jnp.float32)], axis=0)
    fn2, nl3, cnt = _tc_compute(feature, fold, lold.reshape(NBB, 1, BB), cen_pad)
    nl = nl3.reshape(B)
    new_fb, new_lb = _sc_post(ind, fn2, nl, posb, feature_bank, label_bank)
    change_ratio = cnt[0, 0] / jnp.float32(B)
    return change_ratio, new_fb, new_lb

# --- scband reference (transcript-rebuilt; emitter-appended) ---
"""Pipeline reference for scband-odcmemory-gpu-71064528880119 (READ-ONLY COPY).

The authoritative reference and input builder live on the scoring server;
editing this copy changes nothing except your own understanding.
"""

import jax, jax.numpy as jnp
import numpy as np

MOMENTUM = 0.5


def setup_inputs(seed: int = 0) -> dict:
    key = jax.random.key(seed)
    k1, k2, k3, k4, k5 = jax.random.split(key, 5)
    ind = jax.random.randint(k1, (16384,), 0, 1000000, dtype=jnp.int64 if jax.config.jax_enable_x64 else jnp.int32).astype(jnp.int32)
    feature = jax.random.normal(k2, (16384, 32), dtype=jnp.float32)
    feature_bank = jax.random.normal(k3, (1000000, 32), dtype=jnp.float32)
    feature_bank = feature_bank / (jnp.linalg.norm(feature_bank, axis=1, keepdims=True) + 1e-10)
    label_bank = jax.random.randint(k4, (1000000,), 0, 10000, dtype=jnp.int32)
    centroids = jax.random.normal(k5, (10000, 32), dtype=jnp.float32)
    return {"ind": ind, "feature": feature, "feature_bank": feature_bank,
            "label_bank": label_bank, "centroids": centroids}


def reference(ind, feature, feature_bank, label_bank, centroids):
    # update_samples_memory (single-replica: _gather is identity)
    m = MOMENTUM
    feature_norm = feature / (jnp.linalg.norm(feature, axis=1, keepdims=True) + 1e-10)
    feature_old = jnp.take(feature_bank, ind, axis=0)
    feature_new = (1.0 - m) * feature_old + m * feature_norm
    feature_norm2 = feature_new / (jnp.linalg.norm(feature_new, axis=1, keepdims=True) + 1e-10)
    new_feature_bank = feature_bank.at[ind].set(feature_norm2)
    similarity_to_centroids = centroids @ feature_norm2.T  # [num_classes, B]
    newlabel = jnp.argmax(similarity_to_centroids, axis=0)
    old_labels = jnp.take(label_bank, ind, axis=0)
    change_ratio = jnp.sum((newlabel != old_labels).astype(jnp.float32)) / float(newlabel.shape[0])
    new_label_bank = label_bank.at[ind].set(newlabel.astype(label_bank.dtype))
    return change_ratio, new_feature_bank, new_label_bank

if __name__ == "__main__":
    import jax
    _d = setup_inputs()
    print(jax.jit(kernel)(*tuple(_d.values())))

</pallas_src>

<mosaic_0001>
#map = affine_map<(d0, d1) -> (0)>
#map1 = affine_map<(d0, d1) -> (0, 0)>
module attributes {stable_mosaic.version = 14 : i64} {
  func.func @_sc_post_body(%arg0: i32, %arg1: i32, %arg2: memref<16384xi32, #tpu.memory_space<hbm>>, %arg3: memref<16384x32xf32, #tpu.memory_space<hbm>>, %arg4: memref<16384xi32, #tpu.memory_space<hbm>>, %arg5: memref<1000448xi32, #tpu.memory_space<hbm>>, %arg6: memref<1000000x32xf32, #tpu.memory_space<hbm>>, %arg7: memref<1000000xi32, #tpu.memory_space<hbm>>, %arg8: memref<1000000x32xf32, #tpu.memory_space<hbm>>, %arg9: memref<1000000xi32, #tpu.memory_space<hbm>>, %arg10: memref<512xi32, #tpu.memory_space<vmem>>, %arg11: memref<512xi32, #tpu.memory_space<vmem>>, %arg12: memref<512x32xf32, #tpu.memory_space<vmem>>, %arg13: memref<512xi32, #tpu.memory_space<vmem>>, %arg14: memref<!tpu.dma_semaphore, #tpu.memory_space<semaphore_mem>>) attributes {dimension_semantics = [#tpu.dimension_semantics<core_parallel>, #tpu.dimension_semantics<subcore_parallel>], iteration_bounds = array<i64: 2, 16>, scalar_prefetch = 0 : i64, scratch_operands = 5 : i64, tpu.core_type = #tpu.core_type<sc_vector_subcore>, window_params = [{transform_indices = #map}, {transform_indices = #map1}, {transform_indices = #map}, {transform_indices = #map}, {transform_indices = #map1}, {transform_indices = #map}, {transform_indices = #map1}, {transform_indices = #map}]} {
    %mul3A = arith.constant 2 : i32
    %mul3A_0 = arith.muli %arg1, %mul3A : i32
    %add3A = arith.addi %mul3A_0, %arg0 : i32
    %mul3A_1 = arith.constant 512 : i32
    %mul3A_2 = arith.muli %add3A, %mul3A_1 : i32
    "tpu.region"() ({
      %run_scoped3A = tpu.sem_alloc : memref<!tpu.dma_semaphore, #tpu.memory_space<semaphore_mem>>
      %dma_start3A_25 = tpu.memref_slice %arg2[%mul3A_2] : memref<16384xi32, #tpu.memory_space<hbm>> -> memref<512xi32, #tpu.memory_space<hbm>>
      %dma_start3A_26 = tpu.memref_slice %arg2[%mul3A_2] : memref<16384xi32, #tpu.memory_space<hbm>> -> memref<512xi32, #tpu.memory_space<hbm>>
      tpu.enqueue_dma source(%dma_start3A_26 : memref<512xi32, #tpu.memory_space<hbm>>) target(%arg10 : memref<512xi32, #tpu.memory_space<vmem>>) target_semaphore(%run_scoped3A : memref<!tpu.dma_semaphore, #tpu.memory_space<semaphore_mem>>)
      %dma_wait3A_27 = tpu.memref_slice %arg2[%mul3A_2] : memref<16384xi32, #tpu.memory_space<hbm>> -> memref<512xi32, #tpu.memory_space<hbm>>
      %dma_wait3A_28 = tpu.memref_slice %arg2[%mul3A_2] : memref<16384xi32, #tpu.memory_space<hbm>> -> memref<512xi32, #tpu.memory_space<hbm>>
      tpu.wait_dma2 semaphore(%run_scoped3A : memref<!tpu.dma_semaphore, #tpu.memory_space<semaphore_mem>>) src(%dma_wait3A_28 : memref<512xi32, #tpu.memory_space<hbm>>) dst(%arg10 : memref<512xi32, #tpu.memory_space<vmem>>)
      tpu.yield
    }) : () -> ()
    %dma_start3A = arith.constant 0 : i32
    %dma_start3A_3 = tpu.memref_slice %arg5[%dma_start3A] : memref<1000448xi32, #tpu.memory_space<hbm>> -> memref<1000448xi32, #tpu.memory_space<hbm>>
    tpu.enqueue_indirect_dma source(%dma_start3A_3 : memref<1000448xi32, #tpu.memory_space<hbm>>) target(%arg11 : memref<512xi32, #tpu.memory_space<vmem>>) offsets(%arg10 : memref<512xi32, #tpu.memory_space<vmem>>) semaphore(%arg14 : memref<!tpu.dma_semaphore, #tpu.memory_space<semaphore_mem>>)
    %dma_wait3A = arith.constant 0 : i32
    %dma_wait3A_4 = tpu.memref_slice %arg5[%dma_wait3A] : memref<1000448xi32, #tpu.memory_space<hbm>> -> memref<1000448xi32, #tpu.memory_space<hbm>>
    tpu.wait_indirect_dma semaphore(%arg14 : memref<!tpu.dma_semaphore, #tpu.memory_space<semaphore_mem>>) src(%dma_wait3A_4 : memref<1000448xi32, #tpu.memory_space<hbm>>) dst(%arg11 : memref<512xi32, #tpu.memory_space<vmem>>)
    %dma_start3A_5 = arith.constant 0 : i32
    %dma_start3A_6 = arith.constant 0 : i32
    %dma_start3A_7 = tpu.memref_slice %arg3[%dma_start3A_5, %dma_start3A_6] : memref<16384x32xf32, #tpu.memory_space<hbm>> -> memref<16384x32xf32, #tpu.memory_space<hbm>>
    tpu.enqueue_indirect_dma source(%dma_start3A_7 : memref<16384x32xf32, #tpu.memory_space<hbm>>) target(%arg12 : memref<512x32xf32, #tpu.memory_space<vmem>>) offsets(%arg11 : memref<512xi32, #tpu.memory_space<vmem>>) semaphore(%arg14 : memref<!tpu.dma_semaphore, #tpu.memory_space<semaphore_mem>>)
    %dma_wait3A_8 = arith.constant 0 : i32
    %dma_wait3A_9 = arith.constant 0 : i32
    %dma_wait3A_10 = tpu.memref_slice %arg3[%dma_wait3A_8, %dma_wait3A_9] : memref<16384x32xf32, #tpu.memory_space<hbm>> -> memref<16384x32xf32, #tpu.memory_space<hbm>>
    tpu.wait_indirect_dma semaphore(%arg14 : memref<!tpu.dma_semaphore, #tpu.memory_space<semaphore_mem>>) src(%dma_wait3A_10 : memref<16384x32xf32, #tpu.memory_space<hbm>>) dst(%arg12 : memref<512x32xf32, #tpu.memory_space<vmem>>)
    %dma_start3A_11 = arith.constant 0 : i32
    %dma_start3A_12 = tpu.memref_slice %arg4[%dma_start3A_11] : memref<16384xi32, #tpu.memory_space<hbm>> -> memref<16384xi32, #tpu.memory_space<hbm>>
    tpu.enqueue_indirect_dma source(%dma_start3A_12 : memref<16384xi32, #tpu.memory_space<hbm>>) target(%arg13 : memref<512xi32, #tpu.memory_space<vmem>>) offsets(%arg11 : memref<512xi32, #tpu.memory_space<vmem>>) semaphore(%arg14 : memref<!tpu.dma_semaphore, #tpu.memory_space<semaphore_mem>>)
    %dma_wait3A_13 = arith.constant 0 : i32
    %dma_wait3A_14 = tpu.memref_slice %arg4[%dma_wait3A_13] : memref<16384xi32, #tpu.memory_space<hbm>> -> memref<16384xi32, #tpu.memory_space<hbm>>
    tpu.wait_indirect_dma semaphore(%arg14 : memref<!tpu.dma_semaphore, #tpu.memory_space<semaphore_mem>>) src(%dma_wait3A_14 : memref<16384xi32, #tpu.memory_space<hbm>>) dst(%arg13 : memref<512xi32, #tpu.memory_space<vmem>>)
    %dma_start3A_15 = arith.constant 0 : i32
    %dma_start3A_16 = arith.constant 0 : i32
    %dma_start3A_17 = tpu.memref_slice %arg8[%dma_start3A_15, %dma_start3A_16] : memref<1000000x32xf32, #tpu.memory_space<hbm>> -> memref<1000000x32xf32, #tpu.memory_space<hbm>>
    tpu.enqueue_indirect_dma source(%arg12 : memref<512x32xf32, #tpu.memory_space<vmem>>) target(%dma_start3A_17 : memref<1000000x32xf32, #tpu.memory_space<hbm>>) offsets(%arg10 : memref<512xi32, #tpu.memory_space<vmem>>) semaphore(%arg14 : memref<!tpu.dma_semaphore, #tpu.memory_space<semaphore_mem>>)
    %dma_wait3A_18 = arith.constant 0 : i32
    %dma_wait3A_19 = arith.constant 0 : i32
    %dma_wait3A_20 = tpu.memref_slice %arg8[%dma_wait3A_18, %dma_wait3A_19] : memref<1000000x32xf32, #tpu.memory_space<hbm>> -> memref<1000000x32xf32, #tpu.memory_space<hbm>>
    tpu.wait_indirect_dma semaphore(%arg14 : memref<!tpu.dma_semaphore, #tpu.memory_space<semaphore_mem>>) src(%arg12 : memref<512x32xf32, #tpu.memory_space<vmem>>) dst(%dma_wait3A_20 : memref<1000000x32xf32, #tpu.memory_space<hbm>>)
    %dma_start3A_21 = arith.constant 0 : i32
    %dma_start3A_22 = tpu.memref_slice %arg9[%dma_start3A_21] : memref<1000000xi32, #tpu.memory_space<hbm>> -> memref<1000000xi32, #tpu.memory_space<hbm>>
    tpu.enqueue_indirect_dma source(%arg13 : memref<512xi32, #tpu.memory_space<vmem>>) target(%dma_start3A_22 : memref<1000000xi32, #tpu.memory_space<hbm>>) offsets(%arg10 : memref<512xi32, #tpu.memory_space<vmem>>) semaphore(%arg14 : memref<!tpu.dma_semaphore, #tpu.memory_space<semaphore_mem>>)
    %dma_wait3A_23 = arith.constant 0 : i32
    %dma_wait3A_24 = tpu.memref_slice %arg9[%dma_wait3A_23] : memref<1000000xi32, #tpu.memory_space<hbm>> -> memref<1000000xi32, #tpu.memory_space<hbm>>
    tpu.wait_indirect_dma semaphore(%arg14 : memref<!tpu.dma_semaphore, #tpu.memory_space<semaphore_mem>>) src(%arg13 : memref<512xi32, #tpu.memory_space<vmem>>) dst(%dma_wait3A_24 : memref<1000000xi32, #tpu.memory_space<hbm>>)
    return
  }
}

#map = affine_map<(d0, d1) -> (0)>
module attributes {stable_mosaic.version = 14 : i64} {
  func.func @_sc_winner_body(%arg0: i32, %arg1: i32, %arg2: memref<16384xi32, #tpu.memory_space<hbm>>, %arg3: memref<1000448xi32, #tpu.memory_space<hbm>>, %arg4: memref<16384xi32, #tpu.memory_space<vmem>>, %arg5: memref<31264xi32, #tpu.memory_space<vmem>>, %arg6: memref<!tpu.dma_semaphore, #tpu.memory_space<semaphore_mem>>) attributes {dimension_semantics = [#tpu.dimension_semantics<core_parallel>, #tpu.dimension_semantics<subcore_parallel>], iteration_bounds = array<i64: 2, 16>, scalar_prefetch = 0 : i64, scratch_operands = 3 : i64, tpu.core_type = #tpu.core_type<sc_vector_subcore>, window_params = [{transform_indices = #map}, {transform_indices = #map}]} {
    %mul3A = arith.constant 2 : i32
    %mul3A_0 = arith.muli %arg1, %mul3A : i32
    %add3A = arith.addi %mul3A_0, %arg0 : i32
    %mul3A_1 = arith.constant 31264 : i32
    %mul3A_2 = arith.muli %add3A, %mul3A_1 : i32
    %scan3A = arith.constant 0 : i32
    %scan3A_3 = arith.constant 0 : i32
    %scan3A_4 = arith.constant 1954 : i32
    %scan3A_5 = arith.addi %scan3A_3, %scan3A_4 : i32
    %scan3A_6 = arith.constant 1 : i32
    %scan3A_7 = scf.for %scan3A_16 = %scan3A_3 to %scan3A_5 step %scan3A_6 iter_args(%scan3A_17 = %scan3A) -> (i32)  : i32 {
      %broadcast_in_dim3A = arith.constant -1 : i32
      %broadcast_in_dim3A_18 = vector.broadcast %broadcast_in_dim3A : i32 to vector<16xi32>
      %mul3A_19 = arith.constant 16 : i32
      %mul3A_20 = arith.muli %scan3A_16, %mul3A_19 : i32
      %swap3A = arith.index_cast %mul3A_20 : i32 to index
      %swap3A_21 = tpu.vector_load %arg5[%swap3A] {strides = array<i32>} : memref<31264xi32, #tpu.memory_space<vmem>>, vector<16xi32>,
      tpu.vector_store %arg5[%swap3A], %broadcast_in_dim3A_18 {strides = array<i32>} : memref<31264xi32, #tpu.memory_space<vmem>>, vector<16xi32>,
      %scan3A_22 = arith.constant 0 : i32
      scf.yield %scan3A_22 : i32
    }
    %scan3A_8 = arith.constant 1954 : i32
    "tpu.region"() ({
      %run_scoped3A = tpu.sem_alloc : memref<!tpu.dma_semaphore, #tpu.memory_space<semaphore_mem>>
      tpu.enqueue_dma source(%arg2 : memref<16384xi32, #tpu.memory_space<hbm>>) target(%arg4 : memref<16384xi32, #tpu.memory_space<vmem>>) target_semaphore(%run_scoped3A : memref<!tpu.dma_semaphore, #tpu.memory_space<semaphore_mem>>)
      tpu.wait_dma2 semaphore(%run_scoped3A : memref<!tpu.dma_semaphore, #tpu.memory_space<semaphore_mem>>) src(%arg2 : memref<16384xi32, #tpu.memory_space<hbm>>) dst(%arg4 : memref<16384xi32, #tpu.memory_space<vmem>>)
      tpu.yield
    }) : () -> ()
    %iota3A = tpu.iota {dimensions = array<i32: 0>} : vector<16xi32>
    %scan3A_9 = arith.constant 0 : i32
    %scan3A_10 = arith.constant 0 : i32
    %scan3A_11 = arith.constant 1024 : i32
    %scan3A_12 = arith.addi %scan3A_10, %scan3A_11 : i32
    %scan3A_13 = arith.constant 1 : i32
    %scan3A_14 = scf.for %scan3A_16 = %scan3A_10 to %scan3A_12 step %scan3A_13 iter_args(%scan3A_17 = %scan3A_9) -> (i32)  : i32 {
      %mul3A_18 = arith.constant 16 : i32
      %mul3A_19 = arith.muli %scan3A_16, %mul3A_18 : i32
      %get3A = arith.index_cast %mul3A_19 : i32 to index
      %get3A_20 = tpu.vector_load %arg4[%get3A] {strides = array<i32>} : memref<16384xi32, #tpu.memory_space<vmem>>, vector<16xi32>,
      %mul3A_21 = arith.constant 16 : i32
      %mul3A_22 = arith.muli %scan3A_16, %mul3A_21 : i32
      %add3A_23 = vector.broadcast %mul3A_22 : i32 to vector<16xi32>
      %add3A_24 = arith.addi %add3A_23, %iota3A : vector<16xi32>
      %ge3A = vector.broadcast %mul3A_2 : i32 to vector<16xi32>
      %ge3A_25 = arith.cmpi sge, %get3A_20, %ge3A : vector<16xi32>
      %add3A_26 = arith.constant 31264 : i32
      %add3A_27 = arith.addi %mul3A_2, %add3A_26 : i32
      %lt3A = vector.broadcast %add3A_27 : i32 to vector<16xi32>
      %lt3A_28 = arith.cmpi slt, %get3A_20, %lt3A : vector<16xi32>
      %and3A = arith.andi %ge3A_25, %lt3A_28 : vector<16xi1>
      %sub3A = vector.broadcast %mul3A_2 : i32 to vector<16xi32>
      %sub3A_29 = arith.subi %get3A_20, %sub3A : vector<16xi32>
      %jit3A = arith.constant 0 : i32
      %broadcast_in_dim3A = vector.broadcast %jit3A : i32 to vector<16xi32>
      %select_n3A = arith.select %and3A, %sub3A_29, %broadcast_in_dim3A : vector<16xi1>, vector<16xi32>
      %gather3A = tpu.vector_load_idx %arg5[%select_n3A] : memref<31264xi32, #tpu.memory_space<vmem>>[vector<16xi32>], vector<16xi32>,
      %lt3A_30 = arith.cmpi slt, %gather3A, %add3A_24 : vector<16xi32>
      %and3A_31 = arith.andi %and3A, %lt3A_30 : vector<16xi1>
      tpu.vector_store_idx %arg5[%select_n3A], %add3A_24 masked %and3A_31 : memref<31264xi32, #tpu.memory_space<vmem>>[vector<16xi32>], vector<16xi32>, vector<16xi1>
      %gather3A_32 = tpu.vector_load_idx %arg5[%select_n3A] : memref<31264xi32, #tpu.memory_space<vmem>>[vector<16xi32>], vector<16xi32>,
      %lt3A_33 = arith.cmpi slt, %gather3A_32, %add3A_24 : vector<16xi32>
      %and3A_34 = arith.andi %and3A, %lt3A_33 : vector<16xi1>
      %reduce_or3A = arith.constant 1.000000e+00 : f32
      %reduce_or3A_35 = arith.constant 0.000000e+00 : f32
      %reduce_or3A_36 = vector.broadcast %reduce_or3A : f32 to vector<16xf32>
      %reduce_or3A_37 = vector.broadcast %reduce_or3A_35 : f32 to vector<16xf32>
      %reduce_or3A_38 = arith.select %and3A_34, %reduce_or3A_36, %reduce_or3A_37 : vector<16xi1>, vector<16xf32>
      %reduce_or3A_39 = arith.constant true
      %reduce_or3A_40 = vector.broadcast %reduce_or3A_39 : i1 to vector<16xi1>
      %reduce_or3A_41 = tpu.scan <max>, %reduce_or3A_38 masked %reduce_or3A_40 : vector<16xf32>, vector<16xi1> -> vector<16xf32>
      %reduce_or3A_42 = vector.extract %reduce_or3A_41[15] : f32 from vector<16xf32>
      %reduce_or3A_43 = arith.constant 0.000000e+00 : f32
      %reduce_or3A_44 = arith.cmpf ogt, %reduce_or3A_42, %reduce_or3A_43 : f32
      %while3A = scf.while (%while3A_46 = %reduce_or3A_44) : (i1) -> i1 {
        scf.condition(%while3A_46) %while3A_46 : i1
      } do {
      ^bb0(%while3A_46: i1):
        %gather3A_47 = tpu.vector_load_idx %arg5[%select_n3A] : memref<31264xi32, #tpu.memory_space<vmem>>[vector<16xi32>], vector<16xi32>,
        %lt3A_48 = arith.cmpi slt, %gather3A_47, %add3A_24 : vector<16xi32>
        %and3A_49 = arith.andi %and3A, %lt3A_48 : vector<16xi1>
        tpu.vector_store_idx %arg5[%select_n3A], %add3A_24 masked %and3A_49 : memref<31264xi32, #tpu.memory_space<vmem>>[vector<16xi32>], vector<16xi32>, vector<16xi1>
        %gather3A_50 = tpu.vector_load_idx %arg5[%select_n3A] : memref<31264xi32, #tpu.memory_space<vmem>>[vector<16xi32>], vector<16xi32>,
        %lt3A_51 = arith.cmpi slt, %gather3A_50, %add3A_24 : vector<16xi32>
        %and3A_52 = arith.andi %and3A, %lt3A_51 : vector<16xi1>
        %reduce_or3A_53 = arith.constant 1.000000e+00 : f32
        %reduce_or3A_54 = arith.constant 0.000000e+00 : f32
        %reduce_or3A_55 = vector.broadcast %reduce_or3A_53 : f32 to vector<16xf32>
        %reduce_or3A_56 = vector.broadcast %reduce_or3A_54 : f32 to vector<16xf32>
        %reduce_or3A_57 = arith.select %and3A_52, %reduce_or3A_55, %reduce_or3A_56 : vector<16xi1>, vector<16xf32>
        %reduce_or3A_58 = arith.constant true
        %reduce_or3A_59 = vector.broadcast %reduce_or3A_58 : i1 to vector<16xi1>
        %reduce_or3A_60 = tpu.scan <max>, %reduce_or3A_57 masked %reduce_or3A_59 : vector<16xf32>, vector<16xi1> -> vector<16xf32>
        %reduce_or3A_61 = vector.extract %reduce_or3A_60[15] : f32 from vector<16xf32>
        %reduce_or3A_62 = arith.constant 0.000000e+00 : f32
        %reduce_or3A_63 = arith.cmpf ogt, %reduce_or3A_61, %reduce_or3A_62 : f32
        scf.yield %reduce_or3A_63 : i1
      }
      %scan3A_45 = arith.constant 0 : i32
      scf.yield %scan3A_45 : i32
    }
    %scan3A_15 = arith.constant 1024 : i32
    "tpu.region"() ({
      %run_scoped3A = tpu.sem_alloc : memref<!tpu.dma_semaphore, #tpu.memory_space<semaphore_mem>>
      %dma_start3A = tpu.memref_slice %arg3[%mul3A_2] : memref<1000448xi32, #tpu.memory_space<hbm>> -> memref<31264xi32, #tpu.memory_space<hbm>>
      %dma_start3A_16 = tpu.memref_slice %arg3[%mul3A_2] : memref<1000448xi32, #tpu.memory_space<hbm>> -> memref<31264xi32, #tpu.memory_space<hbm>>
      tpu.enqueue_dma source(%arg5 : memref<31264xi32, #tpu.memory_space<vmem>>) target(%dma_start3A_16 : memref<31264xi32, #tpu.memory_space<hbm>>) target_semaphore(%run_scoped3A : memref<!tpu.dma_semaphore, #tpu.memory_space<semaphore_mem>>)
      %dma_wait3A = tpu.memref_slice %arg3[%mul3A_2] : memref<1000448xi32, #tpu.memory_space<hbm>> -> memref<31264xi32, #tpu.memory_space<hbm>>
      %dma_wait3A_17 = tpu.memref_slice %arg3[%mul3A_2] : memref<1000448xi32, #tpu.memory_space<hbm>> -> memref<31264xi32, #tpu.memory_space<hbm>>
      tpu.wait_dma2 semaphore(%run_scoped3A : memref<!tpu.dma_semaphore, #tpu.memory_space<semaphore_mem>>) src(%arg5 : memref<31264xi32, #tpu.memory_space<vmem>>) dst(%dma_wait3A_17 : memref<31264xi32, #tpu.memory_space<hbm>>)
      tpu.yield
    }) : () -> ()
    return
  }
}

#map = affine_map<(d0, d1) -> (0)>
#map1 = affine_map<(d0, d1) -> (0, 0)>
module attributes {stable_mosaic.version = 14 : i64} {
  func.func @_sc_gather_body(%arg0: i32, %arg1: i32, %arg2: memref<16384xi32, #tpu.memory_space<hbm>>, %arg3: memref<1000000x32xf32, #tpu.memory_space<hbm>>, %arg4: memref<1000000xi32, #tpu.memory_space<hbm>>, %arg5: memref<16384x32xf32, #tpu.memory_space<hbm>>, %arg6: memref<16384xi32, #tpu.memory_space<hbm>>, %arg7: memref<512xi32, #tpu.memory_space<vmem>>, %arg8: memref<512x32xf32, #tpu.memory_space<vmem>>, %arg9: memref<512xi32, #tpu.memory_space<vmem>>, %arg10: memref<!tpu.dma_semaphore, #tpu.memory_space<semaphore_mem>>) attributes {dimension_semantics = [#tpu.dimension_semantics<core_parallel>, #tpu.dimension_semantics<subcore_parallel>], iteration_bounds = array<i64: 2, 16>, scalar_prefetch = 0 : i64, scratch_operands = 4 : i64, tpu.core_type = #tpu.core_type<sc_vector_subcore>, window_params = [{transform_indices = #map}, {transform_indices = #map1}, {transform_indices = #map}, {transform_indices = #map1}, {transform_indices = #map}]} {
    %mul3A = arith.constant 2 : i32
    %mul3A_0 = arith.muli %arg1, %mul3A : i32
    %add3A = arith.addi %mul3A_0, %arg0 : i32
    %mul3A_1 = arith.constant 512 : i32
    %mul3A_2 = arith.muli %add3A, %mul3A_1 : i32
    "tpu.region"() ({
      %run_scoped3A = tpu.sem_alloc : memref<!tpu.dma_semaphore, #tpu.memory_space<semaphore_mem>>
      %dma_start3A_11 = tpu.memref_slice %arg2[%mul3A_2] : memref<16384xi32, #tpu.memory_space<hbm>> -> memref<512xi32, #tpu.memory_space<hbm>>
      %dma_start3A_12 = tpu.memref_slice %arg2[%mul3A_2] : memref<16384xi32, #tpu.memory_space<hbm>> -> memref<512xi32, #tpu.memory_space<hbm>>
      tpu.enqueue_dma source(%dma_start3A_12 : memref<512xi32, #tpu.memory_space<hbm>>) target(%arg7 : memref<512xi32, #tpu.memory_space<vmem>>) target_semaphore(%run_scoped3A : memref<!tpu.dma_semaphore, #tpu.memory_space<semaphore_mem>>)
      %dma_wait3A_13 = tpu.memref_slice %arg2[%mul3A_2] : memref<16384xi32, #tpu.memory_space<hbm>> -> memref<512xi32, #tpu.memory_space<hbm>>
      %dma_wait3A_14 = tpu.memref_slice %arg2[%mul3A_2] : memref<16384xi32, #tpu.memory_space<hbm>> -> memref<512xi32, #tpu.memory_space<hbm>>
      tpu.wait_dma2 semaphore(%run_scoped3A : memref<!tpu.dma_semaphore, #tpu.memory_space<semaphore_mem>>) src(%dma_wait3A_14 : memref<512xi32, #tpu.memory_space<hbm>>) dst(%arg7 : memref<512xi32, #tpu.memory_space<vmem>>)
      tpu.yield
    }) : () -> ()
    %dma_start3A = arith.constant 0 : i32
    %dma_start3A_3 = arith.constant 0 : i32
    %dma_start3A_4 = tpu.memref_slice %arg3[%dma_start3A, %dma_start3A_3] : memref<1000000x32xf32, #tpu.memory_space<hbm>> -> memref<1000000x32xf32, #tpu.memory_space<hbm>>
    tpu.enqueue_indirect_dma source(%dma_start3A_4 : memref<1000000x32xf32, #tpu.memory_space<hbm>>) target(%arg8 : memref<512x32xf32, #tpu.memory_space<vmem>>) offsets(%arg7 : memref<512xi32, #tpu.memory_space<vmem>>) semaphore(%arg10 : memref<!tpu.dma_semaphore, #tpu.memory_space<semaphore_mem>>)
    %dma_wait3A = arith.constant 0 : i32
    %dma_wait3A_5 = arith.constant 0 : i32
    %dma_wait3A_6 = tpu.memref_slice %arg3[%dma_wait3A, %dma_wait3A_5] : memref<1000000x32xf32, #tpu.memory_space<hbm>> -> memref<1000000x32xf32, #tpu.memory_space<hbm>>
    tpu.wait_indirect_dma semaphore(%arg10 : memref<!tpu.dma_semaphore, #tpu.memory_space<semaphore_mem>>) src(%dma_wait3A_6 : memref<1000000x32xf32, #tpu.memory_space<hbm>>) dst(%arg8 : memref<512x32xf32, #tpu.memory_space<vmem>>)
    "tpu.region"() ({
      %run_scoped3A = tpu.sem_alloc : memref<!tpu.dma_semaphore, #tpu.memory_space<semaphore_mem>>
      %dma_start3A_11 = arith.constant 0 : i32
      %dma_start3A_12 = tpu.memref_slice %arg5[%mul3A_2, %dma_start3A_11] : memref<16384x32xf32, #tpu.memory_space<hbm>> -> memref<512x32xf32, #tpu.memory_space<hbm>>
      %dma_start3A_13 = arith.constant 0 : i32
      %dma_start3A_14 = tpu.memref_slice %arg5[%mul3A_2, %dma_start3A_13] : memref<16384x32xf32, #tpu.memory_space<hbm>> -> memref<512x32xf32, #tpu.memory_space<hbm>>
      tpu.enqueue_dma source(%arg8 : memref<512x32xf32, #tpu.memory_space<vmem>>) target(%dma_start3A_14 : memref<512x32xf32, #tpu.memory_space<hbm>>) target_semaphore(%run_scoped3A : memref<!tpu.dma_semaphore, #tpu.memory_space<semaphore_mem>>)
      %dma_wait3A_15 = arith.constant 0 : i32
      %dma_wait3A_16 = tpu.memref_slice %arg5[%mul3A_2, %dma_wait3A_15] : memref<16384x32xf32, #tpu.memory_space<hbm>> -> memref<512x32xf32, #tpu.memory_space<hbm>>
      %dma_wait3A_17 = arith.constant 0 : i32
      %dma_wait3A_18 = tpu.memref_slice %arg5[%mul3A_2, %dma_wait3A_17] : memref<16384x32xf32, #tpu.memory_space<hbm>> -> memref<512x32xf32, #tpu.memory_space<hbm>>
      tpu.wait_dma2 semaphore(%run_scoped3A : memref<!tpu.dma_semaphore, #tpu.memory_space<semaphore_mem>>) src(%arg8 : memref<512x32xf32, #tpu.memory_space<vmem>>) dst(%dma_wait3A_18 : memref<512x32xf32, #tpu.memory_space<hbm>>)
      tpu.yield
    }) : () -> ()
    %dma_start3A_7 = arith.constant 0 : i32
    %dma_start3A_8 = tpu.memref_slice %arg4[%dma_start3A_7] : memref<1000000xi32, #tpu.memory_space<hbm>> -> memref<1000000xi32, #tpu.memory_space<hbm>>
    tpu.enqueue_indirect_dma source(%dma_start3A_8 : memref<1000000xi32, #tpu.memory_space<hbm>>) target(%arg9 : memref<512xi32, #tpu.memory_space<vmem>>) offsets(%arg7 : memref<512xi32, #tpu.memory_space<vmem>>) semaphore(%arg10 : memref<!tpu.dma_semaphore, #tpu.memory_space<semaphore_mem>>)
    %dma_wait3A_9 = arith.constant 0 : i32
    %dma_wait3A_10 = tpu.memref_slice %arg4[%dma_wait3A_9] : memref<1000000xi32, #tpu.memory_space<hbm>> -> memref<1000000xi32, #tpu.memory_space<hbm>>
    tpu.wait_indirect_dma semaphore(%arg10 : memref<!tpu.dma_semaphore, #tpu.memory_space<semaphore_mem>>) src(%dma_wait3A_10 : memref<1000000xi32, #tpu.memory_space<hbm>>) dst(%arg9 : memref<512xi32, #tpu.memory_space<vmem>>)
    "tpu.region"() ({
      %run_scoped3A = tpu.sem_alloc : memref<!tpu.dma_semaphore, #tpu.memory_space<semaphore_mem>>
      %dma_start3A_11 = tpu.memref_slice %arg6[%mul3A_2] : memref<16384xi32, #tpu.memory_space<hbm>> -> memref<512xi32, #tpu.memory_space<hbm>>
      %dma_start3A_12 = tpu.memref_slice %arg6[%mul3A_2] : memref<16384xi32, #tpu.memory_space<hbm>> -> memref<512xi32, #tpu.memory_space<hbm>>
      tpu.enqueue_dma source(%arg9 : memref<512xi32, #tpu.memory_space<vmem>>) target(%dma_start3A_12 : memref<512xi32, #tpu.memory_space<hbm>>) target_semaphore(%run_scoped3A : memref<!tpu.dma_semaphore, #tpu.memory_space<semaphore_mem>>)
      %dma_wait3A_13 = tpu.memref_slice %arg6[%mul3A_2] : memref<16384xi32, #tpu.memory_space<hbm>> -> memref<512xi32, #tpu.memory_space<hbm>>
      %dma_wait3A_14 = tpu.memref_slice %arg6[%mul3A_2] : memref<16384xi32, #tpu.memory_space<hbm>> -> memref<512xi32, #tpu.memory_space<hbm>>
      tpu.wait_dma2 semaphore(%run_scoped3A : memref<!tpu.dma_semaphore, #tpu.memory_space<semaphore_mem>>) src(%arg9 : memref<512xi32, #tpu.memory_space<vmem>>) dst(%dma_wait3A_14 : memref<512xi32, #tpu.memory_space<hbm>>)
      tpu.yield
    }) : () -> ()
    return
  }
}

module attributes {stable_mosaic.version = 14 : i64} {
  func.func @_tc_body(%arg0: i32, %arg1: memref<1024x32xf32, #tpu.memory_space<vmem>>, %arg2: memref<1024x32xf32, #tpu.memory_space<vmem>>, %arg3: memref<1x1x1024xi32, #tpu.memory_space<vmem>>, %arg4: memref<10240x32xf32, #tpu.memory_space<vmem>>, %arg5: memref<1024x32xf32, #tpu.memory_space<vmem>>, %arg6: memref<1x1x1024xi32, #tpu.memory_space<vmem>>, %arg7: memref<1x1xf32, #tpu.memory_space<vmem>>) attributes {dimension_semantics = [#tpu.dimension_semantics<arbitrary>], iteration_bounds = array<i64: 16>, scalar_prefetch = 0 : i64, scratch_operands = 0 : i64, tpu.core_type = #tpu.core_type<tc>, window_params = [{transform_indices = @transform_0, window_bounds = array<i64: 1024, 32>}, {transform_indices = @transform_1, window_bounds = array<i64: 1024, 32>}, {transform_indices = @transform_2, window_bounds = array<i64: 1, 1, 1024>}, {pipeline_mode = #tpu.pipeline_mode<synchronous>, transform_indices = @transform_3, window_bounds = array<i64: 10240, 32>}, {transform_indices = @transform_4, window_bounds = array<i64: 1024, 32>}, {transform_indices = @transform_5, window_bounds = array<i64: 1, 1, 1024>}, {pipeline_mode = #tpu.pipeline_mode<synchronous>, transform_indices = @transform_6, window_bounds = array<i64: 1, 1>}]} {
    %get3A = arith.constant 0 : index
    %get3A_0 = arith.constant 0 : index
    %get3A_1 = vector.load %arg1[%get3A, %get3A_0] : memref<1024x32xf32, #tpu.memory_space<vmem>>, vector<1024x32xf32>
    %mul3A = arith.mulf %get3A_1, %get3A_1 : vector<1024x32xf32>
    %reduce_sum3A = arith.constant dense<0.000000e+00> : vector<1024xf32>
    %reduce_sum3A_2 = vector.multi_reduction <add>, %mul3A, %reduce_sum3A [1] : vector<1024x32xf32> to vector<1024xf32>
    %broadcast_in_dim3A = vector.shape_cast %reduce_sum3A_2 : vector<1024xf32> to vector<1024x1xf32>
    %sqrt3A = math.sqrt %broadcast_in_dim3A : vector<1024x1xf32>
    %add3A = arith.constant 1.000000e-10 : f32
    %add3A_3 = vector.broadcast %add3A : f32 to vector<1024x1xf32>
    %add3A_4 = arith.addf %sqrt3A, %add3A_3 : vector<1024x1xf32>
    %div3A = vector.broadcast %add3A_4 : vector<1024x1xf32> to vector<1024x32xf32>
    %div3A_5 = arith.divf %get3A_1, %div3A : vector<1024x32xf32>
    %get3A_6 = arith.constant 0 : index
    %get3A_7 = arith.constant 0 : index
    %get3A_8 = vector.load %arg2[%get3A_6, %get3A_7] : memref<1024x32xf32, #tpu.memory_space<vmem>>, vector<1024x32xf32>
    %mul3A_9 = arith.constant 5.000000e-01 : f32
    %mul3A_10 = vector.broadcast %mul3A_9 : f32 to vector<1024x32xf32>
    %mul3A_11 = arith.mulf %mul3A_10, %get3A_8 : vector<1024x32xf32>
    %mul3A_12 = arith.constant 5.000000e-01 : f32
    %mul3A_13 = vector.broadcast %mul3A_12 : f32 to vector<1024x32xf32>
    %mul3A_14 = arith.mulf %mul3A_13, %div3A_5 : vector<1024x32xf32>
    %add3A_15 = arith.addf %mul3A_11, %mul3A_14 : vector<1024x32xf32>
    %mul3A_16 = arith.mulf %add3A_15, %add3A_15 : vector<1024x32xf32>
    %reduce_sum3A_17 = arith.constant dense<0.000000e+00> : vector<1024xf32>
    %reduce_sum3A_18 = vector.multi_reduction <add>, %mul3A_16, %reduce_sum3A_17 [1] : vector<1024x32xf32> to vector<1024xf32>
    %broadcast_in_dim3A_19 = vector.shape_cast %reduce_sum3A_18 : vector<1024xf32> to vector<1024x1xf32>
    %sqrt3A_20 = math.sqrt %broadcast_in_dim3A_19 : vector<1024x1xf32>
    %add3A_21 = arith.constant 1.000000e-10 : f32
    %add3A_22 = vector.broadcast %add3A_21 : f32 to vector<1024x1xf32>
    %add3A_23 = arith.addf %sqrt3A_20, %add3A_22 : vector<1024x1xf32>
    %div3A_24 = vector.broadcast %add3A_23 : vector<1024x1xf32> to vector<1024x32xf32>
    %div3A_25 = arith.divf %add3A_15, %div3A_24 : vector<1024x32xf32>
    %swap3A = arith.constant 0 : index
    %swap3A_26 = arith.constant 0 : index
    %swap3A_27 = vector.load %arg5[%swap3A, %swap3A_26] : memref<1024x32xf32, #tpu.memory_space<vmem>>, vector<1024x32xf32>
    tpu.vector_store %arg5[%swap3A, %swap3A_26], %div3A_25 {strides = array<i32>} : memref<1024x32xf32, #tpu.memory_space<vmem>>, vector<1024x32xf32>,
    %convert_element_type3A = arith.truncf %div3A_25 : vector<1024x32xf32> to vector<1024x32xbf16>
    %broadcast_in_dim3A_28 = arith.constant 0xFF800000 : f32
    %broadcast_in_dim3A_29 = vector.broadcast %broadcast_in_dim3A_28 : f32 to vector<1x1024xf32>
    %broadcast_in_dim3A_30 = arith.constant 0 : i32
    %broadcast_in_dim3A_31 = vector.broadcast %broadcast_in_dim3A_30 : i32 to vector<1x1024xi32>
    %get3A_32 = arith.constant 0 : index
    %get3A_33 = arith.constant 0 : index
    %get3A_34 = vector.load %arg4[%get3A_32, %get3A_33] : memref<10240x32xf32, #tpu.memory_space<vmem>>, vector<1280x32xf32>
    %convert_element_type3A_35 = arith.truncf %get3A_34 : vector<1280x32xf32> to vector<1280x32xbf16>
    %dot_general3A = arith.constant dense<0.000000e+00> : vector<1280x1024xf32>
    %dot_general3A_36 = tpu.matmul %convert_element_type3A_35, %convert_element_type3A, %dot_general3A {dimension_numbers = #tpu.dot_dimension_numbers<[1], [1], [0], [0], [0, 0, 1, 0], [], []>, transpose_lhs_hint = false} : vector<1280x32xbf16>, vector<1024x32xbf16>, vector<1280x1024xf32> -> vector<1280x1024xf32>
    %reduce_max3A = arith.constant dense<0xFF800000> : vector<1024xf32>
    %reduce_max3A_37 = vector.multi_reduction <maximumf>, %dot_general3A_36, %reduce_max3A [0] : vector<1280x1024xf32> to vector<1024xf32>
    %broadcast_in_dim3A_38 = vector.shape_cast %reduce_max3A_37 : vector<1024xf32> to vector<1x1024xf32>
    %iota3A = tpu.iota {dimensions = array<i32: 0>} : vector<1280x1024xi32>
    %add3A_39 = arith.constant 0 : i32
    %add3A_40 = vector.broadcast %add3A_39 : i32 to vector<1280x1024xi32>
    %add3A_41 = arith.addi %iota3A, %add3A_40 : vector<1280x1024xi32>
    %ge3A = vector.broadcast %broadcast_in_dim3A_38 : vector<1x1024xf32> to vector<1280x1024xf32>
    %ge3A_42 = arith.cmpf oge, %dot_general3A_36, %ge3A : vector<1280x1024xf32>
    %jit3A = arith.constant 10240 : i32
    %broadcast_in_dim3A_43 = vector.broadcast %jit3A : i32 to vector<1280x1024xi32>
    %select_n3A = arith.select %ge3A_42, %add3A_41, %broadcast_in_dim3A_43 : vector<1280x1024xi1>, vector<1280x1024xi32>
    %reduce_min3A = arith.constant dense<2147483647> : vector<1024xi32>
    %reduce_min3A_44 = vector.multi_reduction <minsi>, %select_n3A, %reduce_min3A [0] : vector<1280x1024xi32> to vector<1024xi32>
    %broadcast_in_dim3A_45 = vector.shape_cast %reduce_min3A_44 : vector<1024xi32> to vector<1x1024xi32>
    %gt3A = arith.cmpf ogt, %broadcast_in_dim3A_38, %broadcast_in_dim3A_29 : vector<1x1024xf32>
    %select_n3A_46 = arith.select %gt3A, %broadcast_in_dim3A_38, %broadcast_in_dim3A_29 : vector<1x1024xi1>, vector<1x1024xf32>
    %select_n3A_47 = arith.select %gt3A, %broadcast_in_dim3A_45, %broadcast_in_dim3A_31 : vector<1x1024xi1>, vector<1x1024xi32>
    %get3A_48 = arith.constant 1280 : index
    %get3A_49 = arith.constant 0 : index
    %get3A_50 = vector.load %arg4[%get3A_48, %get3A_49] : memref<10240x32xf32, #tpu.memory_space<vmem>>, vector<1280x32xf32>
    %convert_element_type3A_51 = arith.truncf %get3A_50 : vector<1280x32xf32> to vector<1280x32xbf16>
    %dot_general3A_52 = arith.constant dense<0.000000e+00> : vector<1280x1024xf32>
    %dot_general3A_53 = tpu.matmul %convert_element_type3A_51, %convert_element_type3A, %dot_general3A_52 {dimension_numbers = #tpu.dot_dimension_numbers<[1], [1], [0], [0], [0, 0, 1, 0], [], []>, transpose_lhs_hint = false} : vector<1280x32xbf16>, vector<1024x32xbf16>, vector<1280x1024xf32> -> vector<1280x1024xf32>
    %reduce_max3A_54 = arith.constant dense<0xFF800000> : vector<1024xf32>
    %reduce_max3A_55 = vector.multi_reduction <maximumf>, %dot_general3A_53, %reduce_max3A_54 [0] : vector<1280x1024xf32> to vector<1024xf32>
    %broadcast_in_dim3A_56 = vector.shape_cast %reduce_max3A_55 : vector<1024xf32> to vector<1x1024xf32>
    %iota3A_57 = tpu.iota {dimensions = array<i32: 0>} : vector<1280x1024xi32>
    %add3A_58 = arith.constant 1280 : i32
    %add3A_59 = vector.broadcast %add3A_58 : i32 to vector<1280x1024xi32>
    %add3A_60 = arith.addi %iota3A_57, %add3A_59 : vector<1280x1024xi32>
    %ge3A_61 = vector.broadcast %broadcast_in_dim3A_56 : vector<1x1024xf32> to vector<1280x1024xf32>
    %ge3A_62 = arith.cmpf oge, %dot_general3A_53, %ge3A_61 : vector<1280x1024xf32>
    %jit3A_63 = arith.constant 10240 : i32
    %broadcast_in_dim3A_64 = vector.broadcast %jit3A_63 : i32 to vector<1280x1024xi32>
    %select_n3A_65 = arith.select %ge3A_62, %add3A_60, %broadcast_in_dim3A_64 : vector<1280x1024xi1>, vector<1280x1024xi32>
    %reduce_min3A_66 = arith.constant dense<2147483647> : vector<1024xi32>
    %reduce_min3A_67 = vector.multi_reduction <minsi>, %select_n3A_65, %reduce_min3A_66 [0] : vector<1280x1024xi32> to vector<1024xi32>
    %broadcast_in_dim3A_68 = vector.shape_cast %reduce_min3A_67 : vector<1024xi32> to vector<1x1024xi32>
    %gt3A_69 = arith.cmpf ogt, %broadcast_in_dim3A_56, %select_n3A_46 : vector<1x1024xf32>
    %select_n3A_70 = arith.select %gt3A_69, %broadcast_in_dim3A_56, %select_n3A_46 : vector<1x1024xi1>, vector<1x1024xf32>
    %select_n3A_71 = arith.select %gt3A_69, %broadcast_in_dim3A_68, %select_n3A_47 : vector<1x1024xi1>, vector<1x1024xi32>
    %get3A_72 = arith.constant 2560 : index
    %get3A_73 = arith.constant 0 : index
    %get3A_74 = vector.load %arg4[%get3A_72, %get3A_73] : memref<10240x32xf32, #tpu.memory_space<vmem>>, vector<1280x32xf32>
    %convert_element_type3A_75 = arith.truncf %get3A_74 : vector<1280x32xf32> to vector<1280x32xbf16>
    %dot_general3A_76 = arith.constant dense<0.000000e+00> : vector<1280x1024xf32>
    %dot_general3A_77 = tpu.matmul %convert_element_type3A_75, %convert_element_type3A, %dot_general3A_76 {dimension_numbers = #tpu.dot_dimension_numbers<[1], [1], [0], [0], [0, 0, 1, 0], [], []>, transpose_lhs_hint = false} : vector<1280x32xbf16>, vector<1024x32xbf16>, vector<1280x1024xf32> -> vector<1280x1024xf32>
    %reduce_max3A_78 = arith.constant dense<0xFF800000> : vector<1024xf32>
    %reduce_max3A_79 = vector.multi_reduction <maximumf>, %dot_general3A_77, %reduce_max3A_78 [0] : vector<1280x1024xf32> to vector<1024xf32>
    %broadcast_in_dim3A_80 = vector.shape_cast %reduce_max3A_79 : vector<1024xf32> to vector<1x1024xf32>
    %iota3A_81 = tpu.iota {dimensions = array<i32: 0>} : vector<1280x1024xi32>
    %add3A_82 = arith.constant 2560 : i32
    %add3A_83 = vector.broadcast %add3A_82 : i32 to vector<1280x1024xi32>
    %add3A_84 = arith.addi %iota3A_81, %add3A_83 : vector<1280x1024xi32>
    %ge3A_85 = vector.broadcast %broadcast_in_dim3A_80 : vector<1x1024xf32> to vector<1280x1024xf32>
    %ge3A_86 = arith.cmpf oge, %dot_general3A_77, %ge3A_85 : vector<1280x1024xf32>
    %jit3A_87 = arith.constant 10240 : i32
    %broadcast_in_dim3A_88 = vector.broadcast %jit3A_87 : i32 to vector<1280x1024xi32>
    %select_n3A_89 = arith.select %ge3A_86, %add3A_84, %broadcast_in_dim3A_88 : vector<1280x1024xi1>, vector<1280x1024xi32>
    %reduce_min3A_90 = arith.constant dense<2147483647> : vector<1024xi32>
    %reduce_min3A_91 = vector.multi_reduction <minsi>, %select_n3A_89, %reduce_min3A_90 [0] : vector<1280x1024xi32> to vector<1024xi32>
    %broadcast_in_dim3A_92 = vector.shape_cast %reduce_min3A_91 : vector<1024xi32> to vector<1x1024xi32>
    %gt3A_93 = arith.cmpf ogt, %broadcast_in_dim3A_80, %select_n3A_70 : vector<1x1024xf32>
    %select_n3A_94 = arith.select %gt3A_93, %broadcast_in_dim3A_80, %select_n3A_70 : vector<1x1024xi1>, vector<1x1024xf32>
    %select_n3A_95 = arith.select %gt3A_93, %broadcast_in_dim3A_92, %select_n3A_71 : vector<1x1024xi1>, vector<1x1024xi32>
    %get3A_96 = arith.constant 3840 : index
    %get3A_97 = arith.constant 0 : index
    %get3A_98 = vector.load %arg4[%get3A_96, %get3A_97] : memref<10240x32xf32, #tpu.memory_space<vmem>>, vector<1280x32xf32>
    %convert_element_type3A_99 = arith.truncf %get3A_98 : vector<1280x32xf32> to vector<1280x32xbf16>
    %dot_general3A_100 = arith.constant dense<0.000000e+00> : vector<1280x1024xf32>
    %dot_general3A_101 = tpu.matmul %convert_element_type3A_99, %convert_element_type3A, %dot_general3A_100 {dimension_numbers = #tpu.dot_dimension_numbers<[1], [1], [0], [0], [0, 0, 1, 0], [], []>, transpose_lhs_hint = false} : vector<1280x32xbf16>, vector<1024x32xbf16>, vector<1280x1024xf32> -> vector<1280x1024xf32>
    %reduce_max3A_102 = arith.constant dense<0xFF800000> : vector<1024xf32>
    %reduce_max3A_103 = vector.multi_reduction <maximumf>, %dot_general3A_101, %reduce_max3A_102 [0] : vector<1280x1024xf32> to vector<1024xf32>
    %broadcast_in_dim3A_104 = vector.shape_cast %reduce_max3A_103 : vector<1024xf32> to vector<1x1024xf32>
    %iota3A_105 = tpu.iota {dimensions = array<i32: 0>} : vector<1280x1024xi32>
    %add3A_106 = arith.constant 3840 : i32
    %add3A_107 = vector.broadcast %add3A_106 : i32 to vector<1280x1024xi32>
    %add3A_108 = arith.addi %iota3A_105, %add3A_107 : vector<1280x1024xi32>
    %ge3A_109 = vector.broadcast %broadcast_in_dim3A_104 : vector<1x1024xf32> to vector<1280x1024xf32>
    %ge3A_110 = arith.cmpf oge, %dot_general3A_101, %ge3A_109 : vector<1280x1024xf32>
    %jit3A_111 = arith.constant 10240 : i32
    %broadcast_in_dim3A_112 = vector.broadcast %jit3A_111 : i32 to vector<1280x1024xi32>
    %select_n3A_113 = arith.select %ge3A_110, %add3A_108, %broadcast_in_dim3A_112 : vector<1280x1024xi1>, vector<1280x1024xi32>
    %reduce_min3A_114 = arith.constant dense<2147483647> : vector<1024xi32>
    %reduce_min3A_115 = vector.multi_reduction <minsi>, %select_n3A_113, %reduce_min3A_114 [0] : vector<1280x1024xi32> to vector<1024xi32>
    %broadcast_in_dim3A_116 = vector.shape_cast %reduce_min3A_115 : vector<1024xi32> to vector<1x1024xi32>
    %gt3A_117 = arith.cmpf ogt, %broadcast_in_dim3A_104, %select_n3A_94 : vector<1x1024xf32>
    %select_n3A_118 = arith.select %gt3A_117, %broadcast_in_dim3A_104, %select_n3A_94 : vector<1x1024xi1>, vector<1x1024xf32>
    %select_n3A_119 = arith.select %gt3A_117, %broadcast_in_dim3A_116, %select_n3A_95 : vector<1x1024xi1>, vector<1x1024xi32>
    %get3A_120 = arith.constant 5120 : index
    %get3A_121 = arith.constant 0 : index
    %get3A_122 = vector.load %arg4[%get3A_120, %get3A_121] : memref<10240x32xf32, #tpu.memory_space<vmem>>, vector<1280x32xf32>
    %convert_element_type3A_123 = arith.truncf %get3A_122 : vector<1280x32xf32> to vector<1280x32xbf16>
    %dot_general3A_124 = arith.constant dense<0.000000e+00> : vector<1280x1024xf32>
    %dot_general3A_125 = tpu.matmul %convert_element_type3A_123, %convert_element_type3A, %dot_general3A_124 {dimension_numbers = #tpu.dot_dimension_numbers<[1], [1], [0], [0], [0, 0, 1, 0], [], []>, transpose_lhs_hint = false} : vector<1280x32xbf16>, vector<1024x32xbf16>, vector<1280x1024xf32> -> vector<1280x1024xf32>
    %reduce_max3A_126 = arith.constant dense<0xFF800000> : vector<1024xf32>
    %reduce_max3A_127 = vector.multi_reduction <maximumf>, %dot_general3A_125, %reduce_max3A_126 [0] : vector<1280x1024xf32> to vector<1024xf32>
    %broadcast_in_dim3A_128 = vector.shape_cast %reduce_max3A_127 : vector<1024xf32> to vector<1x1024xf32>
    %iota3A_129 = tpu.iota {dimensions = array<i32: 0>} : vector<1280x1024xi32>
    %add3A_130 = arith.constant 5120 : i32
    %add3A_131 = vector.broadcast %add3A_130 : i32 to vector<1280x1024xi32>
    %add3A_132 = arith.addi %iota3A_129, %add3A_131 : vector<1280x1024xi32>
    %ge3A_133 = vector.broadcast %broadcast_in_dim3A_128 : vector<1x1024xf32> to vector<1280x1024xf32>
    %ge3A_134 = arith.cmpf oge, %dot_general3A_125, %ge3A_133 : vector<1280x1024xf32>
    %jit3A_135 = arith.constant 10240 : i32
    %broadcast_in_dim3A_136 = vector.broadcast %jit3A_135 : i32 to vector<1280x1024xi32>
    %select_n3A_137 = arith.select %ge3A_134, %add3A_132, %broadcast_in_dim3A_136 : vector<1280x1024xi1>, vector<1280x1024xi32>
    %reduce_min3A_138 = arith.constant dense<2147483647> : vector<1024xi32>
    %reduce_min3A_139 = vector.multi_reduction <minsi>, %select_n3A_137, %reduce_min3A_138 [0] : vector<1280x1024xi32> to vector<1024xi32>
    %broadcast_in_dim3A_140 = vector.shape_cast %reduce_min3A_139 : vector<1024xi32> to vector<1x1024xi32>
    %gt3A_141 = arith.cmpf ogt, %broadcast_in_dim3A_128, %select_n3A_118 : vector<1x1024xf32>
    %select_n3A_142 = arith.select %gt3A_141, %broadcast_in_dim3A_128, %select_n3A_118 : vector<1x1024xi1>, vector<1x1024xf32>
    %select_n3A_143 = arith.select %gt3A_141, %broadcast_in_dim3A_140, %select_n3A_119 : vector<1x1024xi1>, vector<1x1024xi32>
    %get3A_144 = arith.constant 6400 : index
    %get3A_145 = arith.constant 0 : index
    %get3A_146 = vector.load %arg4[%get3A_144, %get3A_145] : memref<10240x32xf32, #tpu.memory_space<vmem>>, vector<1280x32xf32>
    %convert_element_type3A_147 = arith.truncf %get3A_146 : vector<1280x32xf32> to vector<1280x32xbf16>
    %dot_general3A_148 = arith.constant dense<0.000000e+00> : vector<1280x1024xf32>
    %dot_general3A_149 = tpu.matmul %convert_element_type3A_147, %convert_element_type3A, %dot_general3A_148 {dimension_numbers = #tpu.dot_dimension_numbers<[1], [1], [0], [0], [0, 0, 1, 0], [], []>, transpose_lhs_hint = false} : vector<1280x32xbf16>, vector<1024x32xbf16>, vector<1280x1024xf32> -> vector<1280x1024xf32>
    %reduce_max3A_150 = arith.constant dense<0xFF800000> : vector<1024xf32>
    %reduce_max3A_151 = vector.multi_reduction <maximumf>, %dot_general3A_149, %reduce_max3A_150 [0] : vector<1280x1024xf32> to vector<1024xf32>
    %broadcast_in_dim3A_152 = vector.shape_cast %reduce_max3A_151 : vector<1024xf32> to vector<1x1024xf32>
    %iota3A_153 = tpu.iota {dimensions = array<i32: 0>} : vector<1280x1024xi32>
    %add3A_154 = arith.constant 6400 : i32
    %add3A_155 = vector.broadcast %add3A_154 : i32 to vector<1280x1024xi32>
    %add3A_156 = arith.addi %iota3A_153, %add3A_155 : vector<1280x1024xi32>
    %ge3A_157 = vector.broadcast %broadcast_in_dim3A_152 : vector<1x1024xf32> to vector<1280x1024xf32>
    %ge3A_158 = arith.cmpf oge, %dot_general3A_149, %ge3A_157 : vector<1280x1024xf32>
    %jit3A_159 = arith.constant 10240 : i32
    %broadcast_in_dim3A_160 = vector.broadcast %jit3A_159 : i32 to vector<1280x1024xi32>
    %select_n3A_161 = arith.select %ge3A_158, %add3A_156, %broadcast_in_dim3A_160 : vector<1280x1024xi1>, vector<1280x1024xi32>
    %reduce_min3A_162 = arith.constant dense<2147483647> : vector<1024xi32>
    %reduce_min3A_163 = vector.multi_reduction <minsi>, %select_n3A_161, %reduce_min3A_162 [0] : vector<1280x1024xi32> to vector<1024xi32>
    %broadcast_in_dim3A_164 = vector.shape_cast %reduce_min3A_163 : vector<1024xi32> to vector<1x1024xi32>
    %gt3A_165 = arith.cmpf ogt, %broadcast_in_dim3A_152, %select_n3A_142 : vector<1x1024xf32>
    %select_n3A_166 = arith.select %gt3A_165, %broadcast_in_dim3A_152, %select_n3A_142 : vector<1x1024xi1>, vector<1x1024xf32>
    %select_n3A_167 = arith.select %gt3A_165, %broadcast_in_dim3A_164, %select_n3A_143 : vector<1x1024xi1>, vector<1x1024xi32>
    %get3A_168 = arith.constant 7680 : index
    %get3A_169 = arith.constant 0 : index
    %get3A_170 = vector.load %arg4[%get3A_168, %get3A_169] : memref<10240x32xf32, #tpu.memory_space<vmem>>, vector<1280x32xf32>
    %convert_element_type3A_171 = arith.truncf %get3A_170 : vector<1280x32xf32> to vector<1280x32xbf16>
    %dot_general3A_172 = arith.constant dense<0.000000e+00> : vector<1280x1024xf32>
    %dot_general3A_173 = tpu.matmul %convert_element_type3A_171, %convert_element_type3A, %dot_general3A_172 {dimension_numbers = #tpu.dot_dimension_numbers<[1], [1], [0], [0], [0, 0, 1, 0], [], []>, transpose_lhs_hint = false} : vector<1280x32xbf16>, vector<1024x32xbf16>, vector<1280x1024xf32> -> vector<1280x1024xf32>
    %reduce_max3A_174 = arith.constant dense<0xFF800000> : vector<1024xf32>
    %reduce_max3A_175 = vector.multi_reduction <maximumf>, %dot_general3A_173, %reduce_max3A_174 [0] : vector<1280x1024xf32> to vector<1024xf32>
    %broadcast_in_dim3A_176 = vector.shape_cast %reduce_max3A_175 : vector<1024xf32> to vector<1x1024xf32>
    %iota3A_177 = tpu.iota {dimensions = array<i32: 0>} : vector<1280x1024xi32>
    %add3A_178 = arith.constant 7680 : i32
    %add3A_179 = vector.broadcast %add3A_178 : i32 to vector<1280x1024xi32>
    %add3A_180 = arith.addi %iota3A_177, %add3A_179 : vector<1280x1024xi32>
    %ge3A_181 = vector.broadcast %broadcast_in_dim3A_176 : vector<1x1024xf32> to vector<1280x1024xf32>
    %ge3A_182 = arith.cmpf oge, %dot_general3A_173, %ge3A_181 : vector<1280x1024xf32>
    %jit3A_183 = arith.constant 10240 : i32
    %broadcast_in_dim3A_184 = vector.broadcast %jit3A_183 : i32 to vector<1280x1024xi32>
    %select_n3A_185 = arith.select %ge3A_182, %add3A_180, %broadcast_in_dim3A_184 : vector<1280x1024xi1>, vector<1280x1024xi32>
    %reduce_min3A_186 = arith.constant dense<2147483647> : vector<1024xi32>
    %reduce_min3A_187 = vector.multi_reduction <minsi>, %select_n3A_185, %reduce_min3A_186 [0] : vector<1280x1024xi32> to vector<1024xi32>
    %broadcast_in_dim3A_188 = vector.shape_cast %reduce_min3A_187 : vector<1024xi32> to vector<1x1024xi32>
    %gt3A_189 = arith.cmpf ogt, %broadcast_in_dim3A_176, %select_n3A_166 : vector<1x1024xf32>
    %select_n3A_190 = arith.select %gt3A_189, %broadcast_in_dim3A_176, %select_n3A_166 : vector<1x1024xi1>, vector<1x1024xf32>
    %select_n3A_191 = arith.select %gt3A_189, %broadcast_in_dim3A_188, %select_n3A_167 : vector<1x1024xi1>, vector<1x1024xi32>
    %get3A_192 = arith.constant 8960 : index
    %get3A_193 = arith.constant 0 : index
    %get3A_194 = vector.load %arg4[%get3A_192, %get3A_193] : memref<10240x32xf32, #tpu.memory_space<vmem>>, vector<1280x32xf32>
    %convert_element_type3A_195 = arith.truncf %get3A_194 : vector<1280x32xf32> to vector<1280x32xbf16>
    %dot_general3A_196 = arith.constant dense<0.000000e+00> : vector<1280x1024xf32>
    %dot_general3A_197 = tpu.matmul %convert_element_type3A_195, %convert_element_type3A, %dot_general3A_196 {dimension_numbers = #tpu.dot_dimension_numbers<[1], [1], [0], [0], [0, 0, 1, 0], [], []>, transpose_lhs_hint = false} : vector<1280x32xbf16>, vector<1024x32xbf16>, vector<1280x1024xf32> -> vector<1280x1024xf32>
    %iota3A_198 = tpu.iota {dimensions = array<i32: 0>} : vector<1280x1xi32>
    %add3A_199 = arith.constant 8960 : i32
    %add3A_200 = vector.broadcast %add3A_199 : i32 to vector<1280x1xi32>
    %add3A_201 = arith.addi %iota3A_198, %add3A_200 : vector<1280x1xi32>
    %lt3A = arith.constant 10000 : i32
    %lt3A_202 = vector.broadcast %lt3A : i32 to vector<1280x1xi32>
    %lt3A_203 = arith.cmpi slt, %add3A_201, %lt3A_202 : vector<1280x1xi32>
    %jit3A_204 = arith.constant 0xFF800000 : f32
    %broadcast_in_dim3A_205 = vector.shape_cast %lt3A_203 : vector<1280x1xi1> to vector<1280x1xi1>
    %broadcast_in_dim3A_206 = vector.broadcast %broadcast_in_dim3A_205 : vector<1280x1xi1> to vector<1280x1024xi1>
    %broadcast_in_dim3A_207 = vector.broadcast %jit3A_204 : f32 to vector<1280x1024xf32>
    %select_n3A_208 = arith.select %broadcast_in_dim3A_206, %dot_general3A_197, %broadcast_in_dim3A_207 : vector<1280x1024xi1>, vector<1280x1024xf32>
    %reduce_max3A_209 = arith.constant dense<0xFF800000> : vector<1024xf32>
    %reduce_max3A_210 = vector.multi_reduction <maximumf>, %select_n3A_208, %reduce_max3A_209 [0] : vector<1280x1024xf32> to vector<1024xf32>
    %broadcast_in_dim3A_211 = vector.shape_cast %reduce_max3A_210 : vector<1024xf32> to vector<1x1024xf32>
    %iota3A_212 = tpu.iota {dimensions = array<i32: 0>} : vector<1280x1024xi32>
    %add3A_213 = arith.constant 8960 : i32
    %add3A_214 = vector.broadcast %add3A_213 : i32 to vector<1280x1024xi32>
    %add3A_215 = arith.addi %iota3A_212, %add3A_214 : vector<1280x1024xi32>
    %ge3A_216 = vector.broadcast %broadcast_in_dim3A_211 : vector<1x1024xf32> to vector<1280x1024xf32>
    %ge3A_217 = arith.cmpf oge, %select_n3A_208, %ge3A_216 : vector<1280x1024xf32>
    %jit3A_218 = arith.constant 10240 : i32
    %broadcast_in_dim3A_219 = vector.broadcast %jit3A_218 : i32 to vector<1280x1024xi32>
    %select_n3A_220 = arith.select %ge3A_217, %add3A_215, %broadcast_in_dim3A_219 : vector<1280x1024xi1>, vector<1280x1024xi32>
    %reduce_min3A_221 = arith.constant dense<2147483647> : vector<1024xi32>
    %reduce_min3A_222 = vector.multi_reduction <minsi>, %select_n3A_220, %reduce_min3A_221 [0] : vector<1280x1024xi32> to vector<1024xi32>
    %broadcast_in_dim3A_223 = vector.shape_cast %reduce_min3A_222 : vector<1024xi32> to vector<1x1024xi32>
    %gt3A_224 = arith.cmpf ogt, %broadcast_in_dim3A_211, %select_n3A_190 : vector<1x1024xf32>
    %select_n3A_225 = arith.select %gt3A_224, %broadcast_in_dim3A_223, %select_n3A_191 : vector<1x1024xi1>, vector<1x1024xi32>
    %reshape3A = vector.shape_cast %select_n3A_225 : vector<1x1024xi32> to vector<1x1x1024xi32>
    %swap3A_226 = arith.constant 0 : index
    %swap3A_227 = arith.constant 0 : index
    %swap3A_228 = arith.constant 0 : index
    %swap3A_229 = vector.load %arg6[%swap3A_226, %swap3A_227, %swap3A_228] : memref<1x1x1024xi32, #tpu.memory_space<vmem>>, vector<1x1x1024xi32>
    tpu.vector_store %arg6[%swap3A_226, %swap3A_227, %swap3A_228], %reshape3A {strides = array<i32>} : memref<1x1x1024xi32, #tpu.memory_space<vmem>>, vector<1x1x1024xi32>,
    %get3A_230 = arith.constant 0 : index
    %get3A_231 = arith.constant 0 : index
    %get3A_232 = arith.constant 0 : index
    %get3A_233 = vector.load %arg3[%get3A_230, %get3A_231, %get3A_232] : memref<1x1x1024xi32, #tpu.memory_space<vmem>>, vector<1x1x1024xi32>
    %reshape3A_234 = vector.shape_cast %get3A_233 : vector<1x1x1024xi32> to vector<1x1024xi32>
    %ne3A = arith.cmpi ne, %select_n3A_225, %reshape3A_234 : vector<1x1024xi32>
    %convert_element_type3A_235 = arith.extui %ne3A : vector<1x1024xi1> to vector<1x1024xi32>
    %convert_element_type3A_236 = arith.sitofp %convert_element_type3A_235 : vector<1x1024xi32> to vector<1x1024xf32>
    %reduce_sum3A_237 = vector.shape_cast %convert_element_type3A_236 : vector<1x1024xf32> to vector<1x1x1024xf32>
    %reduce_sum3A_238 = arith.constant dense<0.000000e+00> : vector<1xf32>
    %reduce_sum3A_239 = vector.multi_reduction <add>, %reduce_sum3A_237, %reduce_sum3A_238 [1, 2] : vector<1x1x1024xf32> to vector<1xf32>
    %reduce_sum3A_240 = vector.shape_cast %reduce_sum3A_239 : vector<1xf32> to vector<1x1x1xf32>
    %reduce_sum3A_241 = vector.extract %reduce_sum3A_240[0, 0, 0] : f32 from vector<1x1x1xf32>
    %reshape3A_242 = vector.broadcast %reduce_sum3A_241 : f32 to vector<1x1xf32>
    %eq3A = arith.constant 0 : i32
    %eq3A_243 = arith.cmpi eq, %arg0, %eq3A : i32
    %convert_element_type3A_244 = arith.extui %eq3A_243 : i1 to i32
    %cond3A = arith.constant 0 : i32
    %cond3A_245 = arith.cmpi ne, %convert_element_type3A_244, %cond3A : i32
    scf.if %cond3A_245 {
      %swap3A_251 = arith.constant 0 : index
      %swap3A_252 = arith.constant 0 : index
      %swap3A_253 = vector.load %arg7[%swap3A_251, %swap3A_252] : memref<1x1xf32, #tpu.memory_space<vmem>>, vector<1x1xf32>
      tpu.vector_store %arg7[%swap3A_251, %swap3A_252], %reshape3A_242 {strides = array<i32>} : memref<1x1xf32, #tpu.memory_space<vmem>>, vector<1x1xf32>,
    } else {
    }
    %ne3A_246 = arith.constant 0 : i32
    %ne3A_247 = arith.cmpi ne, %arg0, %ne3A_246 : i32
    %convert_element_type3A_248 = arith.extui %ne3A_247 : i1 to i32
    %cond3A_249 = arith.constant 0 : i32
    %cond3A_250 = arith.cmpi ne, %convert_element_type3A_248, %cond3A_249 : i32
    scf.if %cond3A_250 {
      %get3A_251 = arith.constant 0 : index
      %get3A_252 = arith.constant 0 : index
      %get3A_253 = vector.load %arg7[%get3A_251, %get3A_252] : memref<1x1xf32, #tpu.memory_space<vmem>>, vector<1x1xf32>
      %add3A_254 = arith.addf %get3A_253, %reshape3A_242 : vector<1x1xf32>
      %swap3A_255 = arith.constant 0 : index
      %swap3A_256 = arith.constant 0 : index
      %swap3A_257 = vector.load %arg7[%swap3A_255, %swap3A_256] : memref<1x1xf32, #tpu.memory_space<vmem>>, vector<1x1xf32>
      tpu.vector_store %arg7[%swap3A_255, %swap3A_256], %add3A_254 {strides = array<i32>} : memref<1x1xf32, #tpu.memory_space<vmem>>, vector<1x1xf32>,
    } else {
    }
    return
  }
  func.func @transform_0(%arg0: i32) -> (i32, i32) {
    %c0_i32 = arith.constant 0 : i32
    %c0_i32_0 = arith.constant 0 : i32
    return %arg0, %c0_i32 : i32, i32
  }
  func.func @transform_1(%arg0: i32) -> (i32, i32) {
    %c0_i32 = arith.constant 0 : i32
    %c0_i32_0 = arith.constant 0 : i32
    return %arg0, %c0_i32 : i32, i32
  }
  func.func @transform_2(%arg0: i32) -> (i32, i32, i32) {
    %c0_i32 = arith.constant 0 : i32
    %c0_i32_0 = arith.constant 0 : i32
    %c0_i32_1 = arith.constant 0 : i32
    return %arg0, %c0_i32, %c0_i32_0 : i32, i32, i32
  }
  func.func @transform_3(%arg0: i32) -> (i32, i32) {
    %c0_i32 = arith.constant 0 : i32
    %c0_i32_0 = arith.constant 0 : i32
    %c0_i32_1 = arith.constant 0 : i32
    return %c0_i32, %c0_i32_0 : i32, i32
  }
  func.func @transform_4(%arg0: i32) -> (i32, i32) {
    %c0_i32 = arith.constant 0 : i32
    %c0_i32_0 = arith.constant 0 : i32
    return %arg0, %c0_i32 : i32, i32
  }
  func.func @transform_5(%arg0: i32) -> (i32, i32, i32) {
    %c0_i32 = arith.constant 0 : i32
    %c0_i32_0 = arith.constant 0 : i32
    %c0_i32_1 = arith.constant 0 : i32
    return %arg0, %c0_i32, %c0_i32_0 : i32, i32, i32
  }
  func.func @transform_6(%arg0: i32) -> (i32, i32) {
    %c0_i32 = arith.constant 0 : i32
    %c0_i32_0 = arith.constant 0 : i32
    %c0_i32_1 = arith.constant 0 : i32
    return %c0_i32, %c0_i32_0 : i32, i32
  }
}

</mosaic_0001>

<sc_bundles>
// kernel: kernel.12.cloned.1.call-start
scs
__scs_entry_jumppad:
0x0: {  	(pc) =	sbr.rel $0x88, $3  }
0x1: {  	(tag) =	ssettag $0x0;
	lr =	simm.s32 $0x1  }
0x2: {  	[smem:$0x3F9C] =	sst lr;
	_ =	strace $0xD0000000  }
0x3: {  	_ = 	snop  }
0x4: {  	_ = 	snop  }
0x5: {  	_ = 	snop  }
0x6: {  	_ = 	snop  }
0x7: {  	_ = 	snop  }
__scs_overlays_trampoline_lowered:
0x8: {  	[smem:$0x3FAB] =	sst s0  }
0x9: {  	[smem:$0x3FAC] =	sst s1  }
0xa: {  	[smem:$0x3FAD] =	sst s2  }
0xb: {  	[smem:$0x3FAE] =	sst s3  }
0xc: {  	[smem:$0x3FAF] =	sst s4  }
0xd: {  	[smem:$0x3FB0] =	sst s5  }
0xe: {  	[smem:$0x3FB1] =	sst s6  }
0xf: {  	[smem:$0x3FB2] =	sst s7  }
0x10: {  	[smem:$0x3FB3] =	sst s8  }
0x11: {  	[smem:$0x3FB4] =	sst s9;
	s0 =	simm.s32 @!p0 $0x0  }
0x12: {  	s1 =	sld [smem:$0x3F9A];
	s0 =	simm.s32 @p0 $0x1  }
0x13: {  	[smem:$0x3FB5] =	sst s0;
	s0 =	simm.s32 @!p1 $0x0  }
0x14: {  	s2 =	sld [smem:$0x3F99];
	s0 =	simm.s32 @p1 $0x1  }
0x15: {  	[smem:$0x3FB6] =	sst s0;
	s0 =	simm.s32 @!p2 $0x0  }
0x16: {  	s3 =	sld [smem:$0x3FDB];
	s0 =	simm.s32 @p2 $0x1  }
0x17: {  	s4 =	simm.s32 $0x1BF5;
	[smem:$0x3FB8] =	sst s0  }
0x18: {  	s0 =	sld [smem:$0x3F9B];
	_ =	swait.ge [sflag:s4], $0x0  }
0x19: {  	s7 =	sld [smem:$0x3F9C]  }
0x1a: {  	s8 =	sadd.s32 $0xFFFFE003, lr  }
0x1b: {  	s9 =	sadd.s32 $0xFFFFFEF7, lr;
	s5 =	simm.s32 $0xFFFFFFFF;
	p2 =	slt.u32 s8, $0xFFFFF086  }
0x1c: {  	p1 =	slt.u32 s9, $0xF7A;
	s5 =	simm.s32 @!p2 $0x0  }
0x1d: {  	s5 =	simm.s32 @p1 $0x1;
	p0 =	seq.s32 s7, s2  }
0x1e: {  	s7 =	smul.u32 @!p0 $0xF7A, s2;
	p2 =	seq.s32 @!p0 s5, $0x0  }
0x1f: {  	s9 =	smul.u32 $0xF7A, s1;
	s8 =	simm.s32 @!p0 $0x1BF5;
	p2 =	por !p2, p0  }
0x20: {  	[sflag:s8] =	ssyncset.s32 @!p0 $0xFFFFF086;
	s6 =	sadd.s32 @!p0 s3, s7;
	s7 =	simm.s32 @!p0 $0x108  }
0x21: {  	s3 =	sadd.s32 s3, s9;
	s6 =	sadd.s32 @!p0 $0x88, s6;
	s7 =	simm.s32 @p2 $0x1082  }
0x22: {  	[simem:s7], [sflag:s8] =	dma.local @!p0 [hbm:s6], $0xF7A  }
0x23: {  	s9 =	sor.u32 $0xD0000000, s2;
	s6 =	simm.s32 $0x108;
	_ =	swait.ge @!p0 [sflag:s8], $0x0  }
0x24: {  	s3 =	sadd.s32 $0x88, s3;
	s6 =	simm.s32 @!p1 $0x1082;
	[sflag:s4] =	ssyncset.s32 $0xFFFFF086  }
0x25: {  	[simem:s6], [sflag:s4] =	dma.local [hbm:s3], $0xF7A  }
0x26: {  	[smem:$0x3F9C] =	sst s1;
	(tag) =	ssettag s2;
	_ =	strace s9  }
0x27: {  	s1 =	sld [smem:$0x3FAC]  }
0x28: {  	s2 =	sld [smem:$0x3FAD]  }
0x29: {  	s4 =	sld [smem:$0x3FAF]  }
0x2a: {  	p0 =	seq.s32 s5, $0x0;
	s5 =	sld [smem:$0x3FB0]  }
0x2b: {  	s6 =	sld [smem:$0x3FB1]  }
0x2c: {  	s7 =	sld [smem:$0x3FB2]  }
0x2d: {  	s3 =	simm.s32 $0x108;
	s8 =	sld [smem:$0x3FB3]  }
0x2e: {  	s3 =	simm.s32 @!p0 $0x1082;
	s9 =	sld [smem:$0x3FB4]  }
0x2f: {  	lr =	sadd.s32 s0, s3;
	s0 =	sld [smem:$0x3FAB]  }
0x30: {  	s3 =	sld [smem:$0x3FAE]  }
0x31: {  	[smem:$0x3FB7] =	sst s10  }
0x32: {  	s10 =	sld [smem:$0x3FB5];
	_ =	sdelay $0x3  }
0x33: {  	p0 =	seq.s32 s10, $0x1;
	s10 =	sld [smem:$0x3FB7];
	_ =	sdelay $0x3  }
0x34: {  	[smem:$0x3FB7] =	sst s10  }
0x35: {  	s10 =	sld [smem:$0x3FB6];
	_ =	sdelay $0x3  }
0x36: {  	p1 =	seq.s32 s10, $0x1;
	s10 =	sld [smem:$0x3FB7];
	_ =	sdelay $0x3  }
0x37: {  	[smem:$0x3FB7] =	sst s10  }
0x38: {  	s10 =	sld [smem:$0x3FB8]  }
0x39: {  	_ = 	snop;
	(pc) =	sbr.ind lr, $3  }
0x3a: {  	_ = 	snop  }
0x3b: {  	_ = 	snop  }
0x3c: {  	p2 =	seq.s32 s10, $0x1;
	s10 =	sld [smem:$0x3FB7]  }
0x3d: {  	_ =	shalt  }
0x3e: {  	_ =	shalt  }
0x3f: {  	_ =	shalt  }
0x40: {  	_ =	shalt  }
0x41: {  	_ =	shalt  }
0x42: {  	_ =	shalt  }
0x43: {  	_ =	shalt  }
0x44: {  	_ =	shalt  }
0x45: {  	_ =	shalt  }
0x46: {  	_ =	shalt  }
0x47: {  	_ =	shalt  }
0x48: {  	_ =	shalt  }
0x49: {  	_ =	shalt  }
0x4a: {  	_ =	shalt  }
0x4b: {  	_ =	shalt  }
0x4c: {  	_ =	shalt  }
0x4d: {  	_ =	shalt  }
0x4e: {  	_ =	shalt  }
0x4f: {  	_ =	shalt  }
0x50: {  	_ =	shalt  }
0x51: {  	_ =	shalt  }
0x52: {  	_ =	shalt  }
0x53: {  	_ =	shalt  }
0x54: {  	_ =	shalt  }
0x55: {  	_ =	shalt  }
0x56: {  	_ =	shalt  }
0x57: {  	_ =	shalt  }
0x58: {  	_ =	shalt  }
0x59: {  	_ =	shalt  }
0x5a: {  	_ =	shalt  }
0x5b: {  	_ =	shalt  }
0x5c: {  	_ =	shalt  }
0x5d: {  	_ =	shalt  }
0x5e: {  	_ =	shalt  }
0x5f: {  	_ =	shalt  }
0x60: {  	_ =	shalt  }
0x61: {  	_ =	shalt  }
0x62: {  	_ =	shalt  }
0x63: {  	_ =	shalt  }
0x64: {  	_ =	shalt  }
0x65: {  	_ =	shalt  }
0x66: {  	_ =	shalt  }
0x67: {  	_ =	shalt  }
0x68: {  	_ =	shalt  }
0x69: {  	_ =	shalt  }
0x6a: {  	_ =	shalt  }
0x6b: {  	_ =	shalt  }
0x6c: {  	_ =	shalt  }
0x6d: {  	_ =	shalt  }
0x6e: {  	_ =	shalt  }
0x6f: {  	_ =	shalt  }
0x70: {  	_ =	shalt  }
0x71: {  	_ =	shalt  }
0x72: {  	_ =	shalt  }
0x73: {  	_ =	shalt  }
0x74: {  	_ =	shalt  }
0x75: {  	_ =	shalt  }
0x76: {  	_ =	shalt  }
0x77: {  	_ =	shalt  }
0x78: {  	_ =	shalt  }
0x79: {  	_ =	shalt  }
0x7a: {  	_ =	shalt  }
0x7b: {  	_ =	shalt  }
0x7c: {  	_ =	shalt  }
0x7d: {  	_ =	shalt  }
0x7e: {  	_ =	shalt  }
0x7f: {  	_ =	shalt  }
0x80: {  	_ =	shalt  }
0x81: {  	_ =	shalt  }
0x82: {  	_ =	shalt  }
0x83: {  	_ =	shalt  }
0x84: {  	_ =	shalt  }
0x85: {  	_ =	shalt  }
0x86: {  	_ =	shalt  }
0x87: {  	_ =	shalt  }
.Lfunc_end0:
.L_simem_size_0:
called_computation.3_lowered:
.L_overlay_start_0:
0x88: {  	s2 =	sld [smem:$0x3FD9]  }
0x89: {  	s3 =	sld [smem:$0x3FFE];
	_ =	sdelay $0x1  }
0x8a: {  	s1 =	srdreg.scid  }
0x8b: {  	s0 =	sand.u32 $0x1, s1  }
0x8c: {  	s14 =	sshll.u32 s0, $0xA;
	s2 =	sadd.s32 s3, s2  }
0x8d: {  	s2 =	sadd.s32 s2, s14  }
0x8e: {  	[smem:$0x3FC3] =	sst s2  }
0x8f: {  	_ = 	snop  }
0x90: {  	s2 =	sld [smem:$0x3FD0];
	_ =	sdelay $0x2  }
0x91: {  	s4 =	simm.s32 $0xB;
	s5 =	simm.s32 $0x10;
	s15 =	sld [smem:$0x3FC9]  }
0x92: {  	[smem:s5], [sflag:s4] =	dma.local [hbm:s2], $0x1  }
0x93: {  	_ =	swait.eq [sflag:s4], $0x1  }
0x94: {  	[sflag:s4] =	ssyncset.done $0x0  }
0x95: {  	s16 =	sld [smem:$0x11];
	[sflag:s4] =	ssyncadd.s32 $0xFFFFFFFF  }
0x96: {  	s17 =	sld [smem:$0x12];
	(tm) =	ssettm $0x1  }
0x97: {  	s18 =	sld [smem:$0x3FFB];
	_ =	sdelay $0x3  }
0x98: {  	_ =	strace s18  }
0x99: {  	s5 =	sld [smem:$0x3FFC];
	_ =	sdelay $0x3  }
0x9a: {  	_ =	strace s5  }
0x9b: {  	s5 =	sld [smem:$0x3FFD];
	_ =	sdelay $0x3  }
0x9c: {  	_ =	strace s5  }
0x9d: {  	_ =	strace $0x8FFFFFFF  }
0x9e: {  	s19 =	sld [smem:$0x3FDB];
	_ =	sdelay $0x1  }
0x9f: {  	s6 =	simm.s32 $_scs_section_size  }
0xa0: {  	s7 =	simm.s32 $_size__tile_overlayer_lowered;
	s8 =	simm.s32 $_tile_overlayer_lowered  }
0xa1: {  	s22 =	simm.s32 $0x1BFF;
	s21 =	sshll.u32 s8, $0x1;
	s5 =	sadd.s32 s6, s19  }
0xa2: {  	s9 =	simm.s32 $0x0;
	s20 =	sshll.u32 s7, $0x1;
	s7 =	sadd.s32 s21, s5  }
0xa3: {  	[timem:s9], [sflag:s22] =	dma.local [hbm:s7], s20  }
0xa4: {  	_ =	swait.ge [sflag:s22], s20  }
0xa5: {  	s6 =	ssub.s32 $0x0, s20;
	[sflag:s22] =	ssyncset.done $0x0  }
0xa6: {  	[sflag:s22] =	ssyncadd.s32 s6;
	_ =	sdelay $0x1  }
0xa7: {  	s23 =	simm.s32 $0x1B8B  }
0xa8: {  	_ =	swait.ge [sflag:s23], $0x1  }
0xa9: {  	[sflag:s23] =	ssyncset.done $0x0  }
0xaa: {  	s25 =	simm.s32 $0x1B8E;
	s24 =	sld [smem:$0x3FFE];
	[sflag:s23] =	ssyncadd.s32 $0xFFFFFFFF  }
0xab: {  	s26 =	simm.s32 $execute0_lowered;
	[smem:$0x3FD2] =	sst s25  }
0xac: {  	s7 =	sshll.u32 s26, $0x1;
	_ =	strace $0x8000004C;
	[dreg:$0x1] =	wrdreg $0xFFFFFFFF  }
0xad: {  	s28 =	simm.s32 $_size_execute0_lowered;
	s5 =	sadd.s32 s5, s7;
	[dreg:$0x0] =	wrdreg $0x0  }
0xae: {  	s7 =	sshll.u32 s28, $0x1;
	[dreg:$0x2] =	wrdreg s5  }
0xaf: {  	[dreg:$0x3] =	wrdreg s7  }
0xb0: {  	[dreg:$0x4] =	wrdreg $0xC0  }
0xb1: {  	_ =	task [dreg:s9], $0x5FFFF  }
0xb2: {  	[dreg:$0x1] =	wrdreg $0xFFFFFFFF  }
0xb3: {  	[dreg:$0x0] =	wrdreg $0x60  }
0xb4: {  	[dreg:$0x2] =	wrdreg s15  }
0xb5: {  	[dreg:$0x3] =	wrdreg s24  }
0xb6: {  	[dreg:$0x4] =	wrdreg s16  }
0xb7: {  	[dreg:$0x5] =	wrdreg s17  }
0xb8: {  	[dreg:$0x6] =	wrdreg $0x9  }
0xb9: {  	_ =	task.clear_ibuf [dreg:s9], $0x7FFFF;
	_ =	strace $0x9000004C  }
0xba: {  	s29 =	simm.s32 $0x9;
	_ =	strace $0x8000004E  }
0xbb: {  	_ =	swait.ge [sflag:s29], $0x1  }
0xbc: {  	[sflag:s29] =	ssyncadd.s32 $0xFFFFFFFF  }
0xbd: {  	_ =	strace $0x9000004E  }
0xbe: {  	_ =	sfence  }
0xbf: {  	s30 =	sld [smem:$0x0];
	_ =	sdelay $0x2  }
0xc0: {  	s31 =	sshll.u32 s1, $0xD;
	s1 =	sshrl.u32 s1, $0x2  }
0xc1: {  	s3 =	sand.u32 $0x4000, s31;
	s1 =	sadd.s32 s1, s30  }
0xc2: {  	s0 =	sor.u32 s3, s0;
	s1 =	sshll.u32 s1, $0x11  }
0xc3: {  	s0 =	sor.u32 s1, s0  }
0xc4: {  	s0 =	sadd.s32 $0x8F2B, s0  }
0xc5: {  	[sflag:s0] =	ssyncadd.remote.s32 $0x1  }
0xc6: {  	_ =	sfence.sel $0xFFFF  }
0xc7: {  	[dreg:$0x0] =	wrdreg $0xFFFFFFFF;
	(pc) =	sbr.abs _section_cstart, $3  }
0xc8: {  	[dreg:$0x1] =	wrdreg $0xFFFFFFFF  }
0xc9: {  	_ =	task.clear_ibuf [dreg:s9], $0x2FFFF;
	_ =	strace $0x9FFFFFFF  }
0xca: {  	(tm) =	ssettm $0x7FFFFFFF  }
0xcb: {  	_ =	shalt  }
tec
execute0_lowered:
.L_overlay_start_1:
0x0: {  	(tag) =	ssettag $0x1  }
0x1: {  	s5 =	rddreg [dreg:$0x0]  }
0x2: {  	s12 =	rddreg [dreg:$0x1]  }
0x3: {  	s1 =	rddreg [dreg:$0x2]  }
0x4: {  	s3 =	rddreg [dreg:$0x3];
	s2 =	srdreg.scid  }
0x5: {  	s0 =	rddreg [dreg:$0x4];
	s14 =	sand.u32 $0x1, s2  }
0x6: {  	s4 =	simm.s32 $0x0;
	s2 =	stileid.u32;
	s6 =	sshll.u32 s14, $0x6  }
0x7: {  	[smem:$0x7FF] =	sst s4;
	s7 =	sshll.u32 s2, $0x7;
	s5 =	sadd.s32 s5, s6  }
0x8: {  	_ =	strace $0x8000004D;
	s6 =	simm.s32 $0x2;
	s5 =	sadd.s32 s7, s5  }
0x9: {  	[tilespmem:s4], [sflag:$0x2] =	stream.linear.gather [hbm4b:s5+s4], $0x200, $0x38;
	[tilespmem:$0x4600] =	vst v63  }
0xa: {  	_ =	swait.ge [sflag:s6], $0x200  }
0xb: {  	s9 =	simm.s32 $0x200;
	[sflag:s6] =	ssyncset.done $0x0  }
0xc: {  	s8 =	simm.s32 $0x1;
	s7 =	sadd.s32 $0x12A00, s12;
	[sflag:s6] =	ssyncadd.s32 $0xFFFFFE00  }
0xd: {  	[tilespmem:s9], [sflag:$0x1] =	stream.indirect.gather [hbm4b:s7+s9], $0x1, s4, s9, $0xb8;
	[tilespmem:$0x4600] =	vst v63  }
0xe: {  	_ =	swait.ge [sflag:s8], $0x200  }
0xf: {  	[sflag:s8] =	ssyncset.done $0x0  }
0x10: {  	s11 =	simm.s32 $0x400;
	s10 =	sadd.s32 $0x2A00, s12;
	[sflag:s8] =	ssyncadd.s32 $0xFFFFFE00  }
0x11: {  	[tilespmem:s11], [sflag:$0x1] =	stream.indirect.gather [hbm4b:s10+s9], $0x20, s9, s9, $0xb8;
	[tilespmem:$0x4600] =	vst v63  }
0x12: {  	_ =	swait.ge [sflag:s8], $0x4000  }
0x13: {  	s13 =	simm.s32 $0x4400;
	[sflag:s8] =	ssyncset.done $0x0  }
0x14: {  	s14 =	ssub.s32 $0x2, s14;
	s12 =	sadd.s32 $0x2200, s12;
	[sflag:s8] =	ssyncadd.s32 $0xFFFFC000  }
0x15: {  	[tilespmem:s13], [sflag:$0x1] =	stream.indirect.gather [hbm4b:s12+s9], $0x1, s9, s9, $0xb8;
	[tilespmem:$0x4600] =	vst v63  }
0x16: {  	s15 =	sshrl.u32 s14, $0x1;
	_ =	swait.ge [sflag:s8], $0x200  }
0x17: {  	s14 =	ssub.s32 s14, s15;
	[sflag:s8] =	ssyncset.done $0x0  }
0x18: {  	s14 =	smax.u32 s14, $0x1;
	[sflag:s8] =	ssyncadd.s32 $0xFFFFFE00  }
0x19: {  	[hbm4b:s1+s9] =	stream.indirect.scatter [tilespmem:s11], [sflag:$0x1], $0x20, s4, s9, $0xb8;
	[tilespmem:$0x4600] =	vst v63  }
0x1a: {  	p0 =	sne.s32 s14, $0x1;
	_ =	swait.ge [sflag:s8], $0x4000  }
.Ltmp0:
0x1b: {  	[sflag:s8] =	ssyncset.done $0x0;
	(pc) =	sbr.rel @!p0 .LBB2_2-.Ltmp0, $4  }
0x1c: {  	[sflag:s8] =	ssyncadd.s32 $0xFFFFC000  }
0x1d: {  	[hbm4b:s3+s9] =	stream.indirect.scatter [tilespmem:s13], [sflag:$0x1], $0x1, s4, s9, $0xb8;
	[tilespmem:$0x4600] =	vst v63  }
0x1e: {  	_ =	swait.ge [sflag:s8], $0x200  }
0x1f: {  	s14 =	sadd.s32 $0xFFFFFFFF, s14;
	[sflag:s8] =	ssyncset.done $0x0  }
.LBB2_1:
0x20: {  	p0 =	sne.s32 s14, $0x1;
	s14 =	sadd.s32 $0xFFFFFFFF, s14;
	[sflag:s8] =	ssyncadd.s32 $0xFFFFFE00  }
0x21: {  	[tilespmem:s4], [sflag:$0x2] =	stream.linear.gather [hbm4b:s5+s4], $0x200, $0x38;
	[tilespmem:$0x4600] =	vst v63  }
0x22: {  	_ =	swait.ge [sflag:s6], $0x200  }
0x23: {  	[sflag:s6] =	ssyncset.done $0x0  }
0x24: {  	[sflag:s6] =	ssyncadd.s32 $0xFFFFFE00  }
0x25: {  	[tilespmem:s9], [sflag:$0x1] =	stream.indirect.gather [hbm4b:s7+s9], $0x1, s4, s9, $0xb8;
	[tilespmem:$0x4600] =	vst v63  }
0x26: {  	_ =	swait.ge [sflag:s8], $0x200  }
0x27: {  	[sflag:s8] =	ssyncset.done $0x0  }
0x28: {  	[sflag:s8] =	ssyncadd.s32 $0xFFFFFE00  }
0x29: {  	[tilespmem:s11], [sflag:$0x1] =	stream.indirect.gather [hbm4b:s10+s9], $0x20, s9, s9, $0xb8;
	[tilespmem:$0x4600] =	vst v63  }
0x2a: {  	_ =	swait.ge [sflag:s8], $0x4000  }
0x2b: {  	[sflag:s8] =	ssyncset.done $0x0  }
0x2c: {  	[sflag:s8] =	ssyncadd.s32 $0xFFFFC000  }
0x2d: {  	[tilespmem:s13], [sflag:$0x1] =	stream.indirect.gather [hbm4b:s12+s9], $0x1, s9, s9, $0xb8;
	[tilespmem:$0x4600] =	vst v63  }
0x2e: {  	_ =	swait.ge [sflag:s8], $0x200  }
0x2f: {  	[sflag:s8] =	ssyncset.done $0x0  }
0x30: {  	[sflag:s8] =	ssyncadd.s32 $0xFFFFFE00  }
0x31: {  	[hbm4b:s1+s9] =	stream.indirect.scatter [tilespmem:s11], [sflag:$0x1], $0x20, s4, s9, $0xb8;
	[tilespmem:$0x4600] =	vst v63  }
0x32: {  	_ =	swait.ge [sflag:s8], $0x4000  }
.Ltmp1:
0x33: {  	[sflag:s8] =	ssyncset.done $0x0;
	(pc) =	sbr.rel @p0 .LBB2_1-.Ltmp1, $4  }
0x34: {  	[sflag:s8] =	ssyncadd.s32 $0xFFFFC000  }
0x35: {  	[hbm4b:s3+s9] =	stream.indirect.scatter [tilespmem:s13], [sflag:$0x1], $0x1, s4, s9, $0xb8;
	[tilespmem:$0x4600] =	vst v63  }
0x36: {  	_ =	swait.ge [sflag:s8], $0x200  }
0x37: {  	[sflag:s8] =	ssyncset.done $0x0  }
.LBB2_2:
0x38: {  	[sflag:s8] =	ssyncadd.s32 $0xFFFFFE00  }
0x39: {  	_ =	sfence.sel $0x180000  }
0x3a: {  	[bflag:$0x0] =	sbarrier.arrive $0xFFFF  }
0x3b: {  	p0 =	sne.s32 s2, $0x0;
	_ =	strace $0x9000004D  }
0x3c: {  	s0 =	sadd.s32 @!p0 $0x100000, s0;
	[bflag:$0x2] =	sbarrier.arrive $0xFFFF  }
0x3d: {  	[sflag:s0] =	ssyncadd.tile.s32 @!p0 $0x1;
	_ =	shalt  }
.Lfunc_end2:
_tile_overlayer_lowered:
.L_overlay_start_2:
0x3e: {  	(tag) =	ssettag $0x2  }
0x3f: {  	s0 =	rddreg [dreg:$0x0];
	s2 =	stileid.u32  }
0x40: {  	s1 =	rddreg [dreg:$0x1];
	p0 =	sne.s32 s2, $0x0  }
0x41: {  	s3 =	rddreg [dreg:$0x2];
	[bflag:$0x3] =	sbarrier.arrive $0xFFFF;
	s2 =	simm.s32 @!p0 $0x1C02  }
0x42: {  	[timem:s3], [sflag:s2] =	dma.local @!p0 [hbm:s0], s1  }
0x43: {  	s0 =	simm.s32 @!p0 $0x2  }
0x44: {  	_ =	swait.ge @!p0 [sflag:s0], s1  }
0x45: {  	s1 =	ssub.s32 @!p0 $0x0, s1;
	[sflag:s0] =	ssyncset.done @!p0 $0x0  }
0x46: {  	[sflag:s0] =	ssyncadd.s32 @!p0 s1  }
0x47: {  	[bflag:$0x3] =	sbarrier.arrive $0xFFFF  }
0x48: {  	_ =	shalt  }

// kernel: kernel.6.cloned.1.call-start
scs
__scs_entry_jumppad:
0x0: {  	(pc) =	sbr.rel $0x88, $3  }
0x1: {  	(tag) =	ssettag $0x0;
	lr =	simm.s32 $0x1  }
0x2: {  	[smem:$0x3F9C] =	sst lr;
	_ =	strace $0xD0000000  }
0x3: {  	_ = 	snop  }
0x4: {  	_ = 	snop  }
0x5: {  	_ = 	snop  }
0x6: {  	_ = 	snop  }
0x7: {  	_ = 	snop  }
__scs_overlays_trampoline_lowered:
0x8: {  	[smem:$0x3FAB] =	sst s0  }
0x9: {  	[smem:$0x3FAC] =	sst s1  }
0xa: {  	[smem:$0x3FAD] =	sst s2  }
0xb: {  	[smem:$0x3FAE] =	sst s3  }
0xc: {  	[smem:$0x3FAF] =	sst s4  }
0xd: {  	[smem:$0x3FB0] =	sst s5  }
0xe: {  	[smem:$0x3FB1] =	sst s6  }
0xf: {  	[smem:$0x3FB2] =	sst s7  }
0x10: {  	[smem:$0x3FB3] =	sst s8  }
0x11: {  	[smem:$0x3FB4] =	sst s9;
	s0 =	simm.s32 @!p0 $0x0  }
0x12: {  	s1 =	sld [smem:$0x3F9A];
	s0 =	simm.s32 @p0 $0x1  }
0x13: {  	[smem:$0x3FB5] =	sst s0;
	s0 =	simm.s32 @!p1 $0x0  }
0x14: {  	s2 =	sld [smem:$0x3F99];
	s0 =	simm.s32 @p1 $0x1  }
0x15: {  	[smem:$0x3FB6] =	sst s0;
	s0 =	simm.s32 @!p2 $0x0  }
0x16: {  	s3 =	sld [smem:$0x3FDB];
	s0 =	simm.s32 @p2 $0x1  }
0x17: {  	s4 =	simm.s32 $0x1BF5;
	[smem:$0x3FB8] =	sst s0  }
0x18: {  	s0 =	sld [smem:$0x3F9B];
	_ =	swait.ge [sflag:s4], $0x0  }
0x19: {  	s7 =	sld [smem:$0x3F9C]  }
0x1a: {  	s8 =	sadd.s32 $0xFFFFE003, lr  }
0x1b: {  	s9 =	sadd.s32 $0xFFFFFEF7, lr;
	s5 =	simm.s32 $0xFFFFFFFF;
	p2 =	slt.u32 s8, $0xFFFFF086  }
0x1c: {  	p1 =	slt.u32 s9, $0xF7A;
	s5 =	simm.s32 @!p2 $0x0  }
0x1d: {  	s5 =	simm.s32 @p1 $0x1;
	p0 =	seq.s32 s7, s2  }
0x1e: {  	s7 =	smul.u32 @!p0 $0xF7A, s2;
	p2 =	seq.s32 @!p0 s5, $0x0  }
0x1f: {  	s9 =	smul.u32 $0xF7A, s1;
	s8 =	simm.s32 @!p0 $0x1BF5;
	p2 =	por !p2, p0  }
0x20: {  	[sflag:s8] =	ssyncset.s32 @!p0 $0xFFFFF086;
	s6 =	sadd.s32 @!p0 s3, s7;
	s7 =	simm.s32 @!p0 $0x108  }
0x21: {  	s3 =	sadd.s32 s3, s9;
	s6 =	sadd.s32 @!p0 $0x88, s6;
	s7 =	simm.s32 @p2 $0x1082  }
0x22: {  	[simem:s7], [sflag:s8] =	dma.local @!p0 [hbm:s6], $0xF7A  }
0x23: {  	s9 =	sor.u32 $0xD0000000, s2;
	s6 =	simm.s32 $0x108;
	_ =	swait.ge @!p0 [sflag:s8], $0x0  }
0x24: {  	s3 =	sadd.s32 $0x88, s3;
	s6 =	simm.s32 @!p1 $0x1082;
	[sflag:s4] =	ssyncset.s32 $0xFFFFF086  }
0x25: {  	[simem:s6], [sflag:s4] =	dma.local [hbm:s3], $0xF7A  }
0x26: {  	[smem:$0x3F9C] =	sst s1;
	(tag) =	ssettag s2;
	_ =	strace s9  }
0x27: {  	s1 =	sld [smem:$0x3FAC]  }
0x28: {  	s2 =	sld [smem:$0x3FAD]  }
0x29: {  	s4 =	sld [smem:$0x3FAF]  }
0x2a: {  	p0 =	seq.s32 s5, $0x0;
	s5 =	sld [smem:$0x3FB0]  }
0x2b: {  	s6 =	sld [smem:$0x3FB1]  }
0x2c: {  	s7 =	sld [smem:$0x3FB2]  }
0x2d: {  	s3 =	simm.s32 $0x108;
	s8 =	sld [smem:$0x3FB3]  }
0x2e: {  	s3 =	simm.s32 @!p0 $0x1082;
	s9 =	sld [smem:$0x3FB4]  }
0x2f: {  	lr =	sadd.s32 s0, s3;
	s0 =	sld [smem:$0x3FAB]  }
0x30: {  	s3 =	sld [smem:$0x3FAE]  }
0x31: {  	[smem:$0x3FB7] =	sst s10  }
0x32: {  	s10 =	sld [smem:$0x3FB5];
	_ =	sdelay $0x3  }
0x33: {  	p0 =	seq.s32 s10, $0x1;
	s10 =	sld [smem:$0x3FB7];
	_ =	sdelay $0x3  }
0x34: {  	[smem:$0x3FB7] =	sst s10  }
0x35: {  	s10 =	sld [smem:$0x3FB6];
	_ =	sdelay $0x3  }
0x36: {  	p1 =	seq.s32 s10, $0x1;
	s10 =	sld [smem:$0x3FB7];
	_ =	sdelay $0x3  }
0x37: {  	[smem:$0x3FB7] =	sst s10  }
0x38: {  	s10 =	sld [smem:$0x3FB8]  }
0x39: {  	_ = 	snop;
	(pc) =	sbr.ind lr, $3  }
0x3a: {  	_ = 	snop  }
0x3b: {  	_ = 	snop  }
0x3c: {  	p2 =	seq.s32 s10, $0x1;
	s10 =	sld [smem:$0x3FB7]  }
0x3d: {  	_ =	shalt  }
0x3e: {  	_ =	shalt  }
0x3f: {  	_ =	shalt  }
0x40: {  	_ =	shalt  }
0x41: {  	_ =	shalt  }
0x42: {  	_ =	shalt  }
0x43: {  	_ =	shalt  }
0x44: {  	_ =	shalt  }
0x45: {  	_ =	shalt  }
0x46: {  	_ =	shalt  }
0x47: {  	_ =	shalt  }
0x48: {  	_ =	shalt  }
0x49: {  	_ =	shalt  }
0x4a: {  	_ =	shalt  }
0x4b: {  	_ =	shalt  }
0x4c: {  	_ =	shalt  }
0x4d: {  	_ =	shalt  }
0x4e: {  	_ =	shalt  }
0x4f: {  	_ =	shalt  }
0x50: {  	_ =	shalt  }
0x51: {  	_ =	shalt  }
0x52: {  	_ =	shalt  }
0x53: {  	_ =	shalt  }
0x54: {  	_ =	shalt  }
0x55: {  	_ =	shalt  }
0x56: {  	_ =	shalt  }
0x57: {  	_ =	shalt  }
0x58: {  	_ =	shalt  }
0x59: {  	_ =	shalt  }
0x5a: {  	_ =	shalt  }
0x5b: {  	_ =	shalt  }
0x5c: {  	_ =	shalt  }
0x5d: {  	_ =	shalt  }
0x5e: {  	_ =	shalt  }
0x5f: {  	_ =	shalt  }
0x60: {  	_ =	shalt  }
0x61: {  	_ =	shalt  }
0x62: {  	_ =	shalt  }
0x63: {  	_ =	shalt  }
0x64: {  	_ =	shalt  }
0x65: {  	_ =	shalt  }
0x66: {  	_ =	shalt  }
0x67: {  	_ =	shalt  }
0x68: {  	_ =	shalt  }
0x69: {  	_ =	shalt  }
0x6a: {  	_ =	shalt  }
0x6b: {  	_ =	shalt  }
0x6c: {  	_ =	shalt  }
0x6d: {  	_ =	shalt  }
0x6e: {  	_ =	shalt  }
0x6f: {  	_ =	shalt  }
0x70: {  	_ =	shalt  }
0x71: {  	_ =	shalt  }
0x72: {  	_ =	shalt  }
0x73: {  	_ =	shalt  }
0x74: {  	_ =	shalt  }
0x75: {  	_ =	shalt  }
0x76: {  	_ =	shalt  }
0x77: {  	_ =	shalt  }
0x78: {  	_ =	shalt  }
0x79: {  	_ =	shalt  }
0x7a: {  	_ =	shalt  }
0x7b: {  	_ =	shalt  }
0x7c: {  	_ =	shalt  }
0x7d: {  	_ =	shalt  }
0x7e: {  	_ =	shalt  }
0x7f: {  	_ =	shalt  }
0x80: {  	_ =	shalt  }
0x81: {  	_ =	shalt  }
0x82: {  	_ =	shalt  }
0x83: {  	_ =	shalt  }
0x84: {  	_ =	shalt  }
0x85: {  	_ =	shalt  }
0x86: {  	_ =	shalt  }
0x87: {  	_ =	shalt  }
.Lfunc_end0:
.L_simem_size_0:
called_computation.1_lowered:
.L_overlay_start_0:
0x88: {  	s2 =	sld [smem:$0x3FD9]  }
0x89: {  	s3 =	sld [smem:$0x3FFE];
	_ =	sdelay $0x1  }
0x8a: {  	s1 =	srdreg.scid  }
0x8b: {  	s0 =	sand.u32 $0x1, s1  }
0x8c: {  	s14 =	sshll.u32 s0, $0xA;
	s2 =	sadd.s32 s3, s2  }
0x8d: {  	s2 =	sadd.s32 s2, s14  }
0x8e: {  	[smem:$0x3FC3] =	sst s2  }
0x8f: {  	_ = 	snop  }
0x90: {  	s2 =	sld [smem:$0x3FD0];
	_ =	sdelay $0x2  }
0x91: {  	s4 =	simm.s32 $0xB;
	s5 =	simm.s32 $0x10;
	s15 =	sld [smem:$0x3FC9]  }
0x92: {  	[smem:s5], [sflag:s4] =	dma.local [hbm:s2], $0x1  }
0x93: {  	_ =	swait.eq [sflag:s4], $0x1  }
0x94: {  	[sflag:s4] =	ssyncset.done $0x0  }
0x95: {  	s16 =	sld [smem:$0x11];
	[sflag:s4] =	ssyncadd.s32 $0xFFFFFFFF  }
0x96: {  	s17 =	sld [smem:$0x12];
	(tm) =	ssettm $0x1  }
0x97: {  	s18 =	sld [smem:$0x3FFB];
	_ =	sdelay $0x3  }
0x98: {  	_ =	strace s18  }
0x99: {  	s5 =	sld [smem:$0x3FFC];
	_ =	sdelay $0x3  }
0x9a: {  	_ =	strace s5  }
0x9b: {  	s5 =	sld [smem:$0x3FFD];
	_ =	sdelay $0x3  }
0x9c: {  	_ =	strace s5  }
0x9d: {  	_ =	strace $0x8FFFFFFF  }
0x9e: {  	s19 =	sld [smem:$0x3FDB];
	_ =	sdelay $0x1  }
0x9f: {  	s6 =	simm.s32 $_scs_section_size  }
0xa0: {  	s7 =	simm.s32 $_size__tile_overlayer_lowered;
	s8 =	simm.s32 $_tile_overlayer_lowered  }
0xa1: {  	s22 =	simm.s32 $0x1BFF;
	s21 =	sshll.u32 s8, $0x1;
	s5 =	sadd.s32 s6, s19  }
0xa2: {  	s9 =	simm.s32 $0x0;
	s20 =	sshll.u32 s7, $0x1;
	s7 =	sadd.s32 s21, s5  }
0xa3: {  	[timem:s9], [sflag:s22] =	dma.local [hbm:s7], s20  }
0xa4: {  	_ =	swait.ge [sflag:s22], s20  }
0xa5: {  	s6 =	ssub.s32 $0x0, s20;
	[sflag:s22] =	ssyncset.done $0x0  }
0xa6: {  	[sflag:s22] =	ssyncadd.s32 s6;
	_ =	sdelay $0x1  }
0xa7: {  	s23 =	simm.s32 $0x1B8B  }
0xa8: {  	_ =	swait.ge [sflag:s23], $0x1  }
0xa9: {  	[sflag:s23] =	ssyncset.done $0x0  }
0xaa: {  	s25 =	simm.s32 $0x1B8E;
	s24 =	sld [smem:$0x3FFE];
	[sflag:s23] =	ssyncadd.s32 $0xFFFFFFFF  }
0xab: {  	s26 =	simm.s32 $execute0_lowered;
	[smem:$0x3FD2] =	sst s25  }
0xac: {  	s7 =	sshll.u32 s26, $0x1;
	_ =	strace $0x80000046;
	[dreg:$0x1] =	wrdreg $0xFFFFFFFF  }
0xad: {  	s28 =	simm.s32 $_size_execute0_lowered;
	s5 =	sadd.s32 s5, s7;
	[dreg:$0x0] =	wrdreg $0x0  }
0xae: {  	s7 =	sshll.u32 s28, $0x1;
	[dreg:$0x2] =	wrdreg s5  }
0xaf: {  	[dreg:$0x3] =	wrdreg s7  }
0xb0: {  	[dreg:$0x4] =	wrdreg $0xC0  }
0xb1: {  	_ =	task [dreg:s9], $0x5FFFF  }
0xb2: {  	[dreg:$0x1] =	wrdreg $0xFFFFFFFF  }
0xb3: {  	[dreg:$0x0] =	wrdreg $0x60  }
0xb4: {  	[dreg:$0x2] =	wrdreg s15  }
0xb5: {  	[dreg:$0x3] =	wrdreg s16  }
0xb6: {  	[dreg:$0x4] =	wrdreg s17  }
0xb7: {  	[dreg:$0x5] =	wrdreg s24  }
0xb8: {  	[dreg:$0x6] =	wrdreg $0x9  }
0xb9: {  	_ =	task.clear_ibuf [dreg:s9], $0x7FFFF;
	_ =	strace $0x90000046  }
0xba: {  	s29 =	simm.s32 $0x9;
	_ =	strace $0x80000048  }
0xbb: {  	_ =	swait.ge [sflag:s29], $0x1  }
0xbc: {  	[sflag:s29] =	ssyncadd.s32 $0xFFFFFFFF  }
0xbd: {  	_ =	strace $0x90000048  }
0xbe: {  	_ =	sfence  }
0xbf: {  	s30 =	sld [smem:$0x0];
	_ =	sdelay $0x2  }
0xc0: {  	s31 =	sshll.u32 s1, $0xD;
	s1 =	sshrl.u32 s1, $0x2  }
0xc1: {  	s3 =	sand.u32 $0x4000, s31;
	s1 =	sadd.s32 s1, s30  }
0xc2: {  	s0 =	sor.u32 s3, s0;
	s1 =	sshll.u32 s1, $0x11  }
0xc3: {  	s0 =	sor.u32 s1, s0  }
0xc4: {  	s0 =	sadd.s32 $0x8F2B, s0  }
0xc5: {  	[sflag:s0] =	ssyncadd.remote.s32 $0x1  }
0xc6: {  	_ =	sfence.sel $0xFFFF  }
0xc7: {  	[dreg:$0x0] =	wrdreg $0xFFFFFFFF;
	(pc) =	sbr.abs _section_cstart, $3  }
0xc8: {  	[dreg:$0x1] =	wrdreg $0xFFFFFFFF  }
0xc9: {  	_ =	task.clear_ibuf [dreg:s9], $0x2FFFF;
	_ =	strace $0x9FFFFFFF  }
0xca: {  	(tm) =	ssettm $0x7FFFFFFF  }
0xcb: {  	_ =	shalt  }
tec
execute0_lowered:
.L_overlay_start_1:
0x0: {  	(tag) =	ssettag $0x1  }
0x1: {  	s5 =	rddreg [dreg:$0x0]  }
0x2: {  	s1 =	rddreg [dreg:$0x1];
	s2 =	srdreg.scid  }
0x3: {  	s3 =	rddreg [dreg:$0x2];
	s0 =	stileid.u32;
	s10 =	sand.u32 $0x1, s2  }
0x4: {  	s11 =	rddreg [dreg:$0x3];
	s6 =	sshll.u32 s0, $0xA;
	s7 =	sshll.u32 s10, $0x9  }
0x5: {  	s4 =	simm.s32 $0x0;
	s2 =	rddreg [dreg:$0x4];
	s9 =	sor.u32 s7, s6  }
0x6: {  	[smem:$0x7FF] =	sst s4;
	s12 =	sshrl.u32 s9, $0x3  }
0x7: {  	_ =	strace $0x80000047;
	s6 =	sadd.s32 s5, s12;
	s5 =	simm.s32 $0x2  }
0x8: {  	[tilespmem:s4], [sflag:$0x2] =	stream.linear.gather [hbm4b:s6+s4], $0x200, $0x38;
	[tilespmem:$0x4400] =	vst v63  }
0x9: {  	_ =	swait.ge [sflag:s5], $0x200  }
0xa: {  	[sflag:s5] =	ssyncset.done $0x0  }
0xb: {  	s8 =	simm.s32 $0x1;
	s7 =	simm.s32 $0x200;
	[sflag:s5] =	ssyncadd.s32 $0xFFFFFE00  }
0xc: {  	[tilespmem:s7], [sflag:$0x1] =	stream.indirect.gather [hbm4b:s1+s7], $0x20, s4, s7, $0xb8;
	[tilespmem:$0x4400] =	vst v63  }
0xd: {  	s9 =	sshll.u32 s9, $0x2;
	_ =	swait.ge [sflag:s8], $0x4000  }
0xe: {  	s9 =	sadd.s32 s9, s11;
	[sflag:s8] =	ssyncset.done $0x0  }
0xf: {  	s13 =	ssub.s32 $0x2, s10;
	s9 =	sadd.s32 $0x2200, s9;
	[sflag:s8] =	ssyncadd.s32 $0xFFFFC000  }
0x10: {  	[hbm4b:s9+s4] =	stream.linear.scatter [tilespmem:s7], [sflag:$0x2], $0x4000, $0x38;
	[tilespmem:$0x4400] =	vst v63  }
0x11: {  	s14 =	sshrl.u32 s13, $0x1;
	_ =	swait.ge [sflag:s5], $0x4000  }
0x12: {  	s10 =	simm.s32 $0x4200;
	s31 =	ssub.s32 s13, s14;
	[sflag:s5] =	ssyncset.done $0x0  }
0x13: {  	s11 =	sadd.s32 s12, s11;
	s12 =	smax.u32 s31, $0x1;
	[sflag:s5] =	ssyncadd.s32 $0xFFFFC000  }
0x14: {  	[tilespmem:s10], [sflag:$0x1] =	stream.indirect.gather [hbm4b:s3+s7], $0x1, s4, s7, $0xb8;
	[tilespmem:$0x4400] =	vst v63  }
0x15: {  	p0 =	sne.s32 s12, $0x1;
	_ =	swait.ge [sflag:s8], $0x200  }
.Ltmp0:
0x16: {  	[sflag:s8] =	ssyncset.done $0x0;
	(pc) =	sbr.rel @!p0 .LBB2_2-.Ltmp0, $4  }
0x17: {  	s11 =	sadd.s32 $0x12200, s11;
	[sflag:s8] =	ssyncadd.s32 $0xFFFFFE00  }
0x18: {  	[hbm4b:s11+s4] =	stream.linear.scatter [tilespmem:s10], [sflag:$0x2], $0x200, $0x38;
	[tilespmem:$0x4400] =	vst v63  }
0x19: {  	_ =	swait.ge [sflag:s5], $0x200  }
0x1a: {  	s12 =	sadd.s32 $0xFFFFFFFF, s12;
	[sflag:s5] =	ssyncset.done $0x0  }
.LBB2_1:
0x1b: {  	p0 =	sne.s32 s12, $0x1;
	s12 =	sadd.s32 $0xFFFFFFFF, s12;
	[sflag:s5] =	ssyncadd.s32 $0xFFFFFE00  }
0x1c: {  	[tilespmem:s4], [sflag:$0x2] =	stream.linear.gather [hbm4b:s6+s4], $0x200, $0x38;
	[tilespmem:$0x4400] =	vst v63  }
0x1d: {  	_ =	swait.ge [sflag:s5], $0x200  }
0x1e: {  	[sflag:s5] =	ssyncset.done $0x0  }
0x1f: {  	[sflag:s5] =	ssyncadd.s32 $0xFFFFFE00  }
0x20: {  	[tilespmem:s7], [sflag:$0x1] =	stream.indirect.gather [hbm4b:s1+s7], $0x20, s4, s7, $0xb8;
	[tilespmem:$0x4400] =	vst v63  }
0x21: {  	_ =	swait.ge [sflag:s8], $0x4000  }
0x22: {  	[sflag:s8] =	ssyncset.done $0x0  }
0x23: {  	[sflag:s8] =	ssyncadd.s32 $0xFFFFC000  }
0x24: {  	[hbm4b:s9+s4] =	stream.linear.scatter [tilespmem:s7], [sflag:$0x2], $0x4000, $0x38;
	[tilespmem:$0x4400] =	vst v63  }
0x25: {  	_ =	swait.ge [sflag:s5], $0x4000  }
0x26: {  	[sflag:s5] =	ssyncset.done $0x0  }
0x27: {  	[sflag:s5] =	ssyncadd.s32 $0xFFFFC000  }
0x28: {  	[tilespmem:s10], [sflag:$0x1] =	stream.indirect.gather [hbm4b:s3+s7], $0x1, s4, s7, $0xb8;
	[tilespmem:$0x4400] =	vst v63  }
0x29: {  	_ =	swait.ge [sflag:s8], $0x200  }
.Ltmp1:
0x2a: {  	[sflag:s8] =	ssyncset.done $0x0;
	(pc) =	sbr.rel @p0 .LBB2_1-.Ltmp1, $4  }
0x2b: {  	[sflag:s8] =	ssyncadd.s32 $0xFFFFFE00  }
0x2c: {  	[hbm4b:s11+s4] =	stream.linear.scatter [tilespmem:s10], [sflag:$0x2], $0x200, $0x38;
	[tilespmem:$0x4400] =	vst v63  }
0x2d: {  	_ =	swait.ge [sflag:s5], $0x200  }
0x2e: {  	[sflag:s5] =	ssyncset.done $0x0  }
.LBB2_2:
0x2f: {  	[sflag:s5] =	ssyncadd.s32 $0xFFFFFE00  }
0x30: {  	_ =	sfence.sel $0x180000  }
0x31: {  	[bflag:$0x0] =	sbarrier.arrive $0xFFFF  }
0x32: {  	p0 =	sne.s32 s0, $0x0;
	_ =	strace $0x90000047  }
0x33: {  	s0 =	sadd.s32 @!p0 $0x100000, s2;
	[bflag:$0x2] =	sbarrier.arrive $0xFFFF  }
0x34: {  	[sflag:s0] =	ssyncadd.tile.s32 @!p0 $0x1;
	_ =	shalt  }
.Lfunc_end2:
_tile_overlayer_lowered:
.L_overlay_start_2:
0x35: {  	(tag) =	ssettag $0x2  }
0x36: {  	s0 =	rddreg [dreg:$0x0];
	s2 =	stileid.u32  }
0x37: {  	s1 =	rddreg [dreg:$0x1];
	p0 =	sne.s32 s2, $0x0  }
0x38: {  	s3 =	rddreg [dreg:$0x2];
	[bflag:$0x3] =	sbarrier.arrive $0xFFFF;
	s2 =	simm.s32 @!p0 $0x1C02  }
0x39: {  	[timem:s3], [sflag:s2] =	dma.local @!p0 [hbm:s0], s1  }
0x3a: {  	s0 =	simm.s32 @!p0 $0x2  }
0x3b: {  	_ =	swait.ge @!p0 [sflag:s0], s1  }
0x3c: {  	s1 =	ssub.s32 @!p0 $0x0, s1;
	[sflag:s0] =	ssyncset.done @!p0 $0x0  }
0x3d: {  	[sflag:s0] =	ssyncadd.s32 @!p0 s1  }
0x3e: {  	[bflag:$0x3] =	sbarrier.arrive $0xFFFF  }
0x3f: {  	_ =	shalt  }

// kernel: kernel.9.cloned.1.call-start
scs
__scs_entry_jumppad:
0x0: {  	(pc) =	sbr.rel $0x88, $3  }
0x1: {  	(tag) =	ssettag $0x0;
	lr =	simm.s32 $0x1  }
0x2: {  	[smem:$0x3F9C] =	sst lr;
	_ =	strace $0xD0000000  }
0x3: {  	_ = 	snop  }
0x4: {  	_ = 	snop  }
0x5: {  	_ = 	snop  }
0x6: {  	_ = 	snop  }
0x7: {  	_ = 	snop  }
__scs_overlays_trampoline_lowered:
0x8: {  	[smem:$0x3FAB] =	sst s0  }
0x9: {  	[smem:$0x3FAC] =	sst s1  }
0xa: {  	[smem:$0x3FAD] =	sst s2  }
0xb: {  	[smem:$0x3FAE] =	sst s3  }
0xc: {  	[smem:$0x3FAF] =	sst s4  }
0xd: {  	[smem:$0x3FB0] =	sst s5  }
0xe: {  	[smem:$0x3FB1] =	sst s6  }
0xf: {  	[smem:$0x3FB2] =	sst s7  }
0x10: {  	[smem:$0x3FB3] =	sst s8  }
0x11: {  	[smem:$0x3FB4] =	sst s9;
	s0 =	simm.s32 @!p0 $0x0  }
0x12: {  	s1 =	sld [smem:$0x3F9A];
	s0 =	simm.s32 @p0 $0x1  }
0x13: {  	[smem:$0x3FB5] =	sst s0;
	s0 =	simm.s32 @!p1 $0x0  }
0x14: {  	s2 =	sld [smem:$0x3F99];
	s0 =	simm.s32 @p1 $0x1  }
0x15: {  	[smem:$0x3FB6] =	sst s0;
	s0 =	simm.s32 @!p2 $0x0  }
0x16: {  	s3 =	sld [smem:$0x3FDB];
	s0 =	simm.s32 @p2 $0x1  }
0x17: {  	s4 =	simm.s32 $0x1BF5;
	[smem:$0x3FB8] =	sst s0  }
0x18: {  	s0 =	sld [smem:$0x3F9B];
	_ =	swait.ge [sflag:s4], $0x0  }
0x19: {  	s7 =	sld [smem:$0x3F9C]  }
0x1a: {  	s8 =	sadd.s32 $0xFFFFE003, lr  }
0x1b: {  	s9 =	sadd.s32 $0xFFFFFEF7, lr;
	s5 =	simm.s32 $0xFFFFFFFF;
	p2 =	slt.u32 s8, $0xFFFFF086  }
0x1c: {  	p1 =	slt.u32 s9, $0xF7A;
	s5 =	simm.s32 @!p2 $0x0  }
0x1d: {  	s5 =	simm.s32 @p1 $0x1;
	p0 =	seq.s32 s7, s2  }
0x1e: {  	s7 =	smul.u32 @!p0 $0xF7A, s2;
	p2 =	seq.s32 @!p0 s5, $0x0  }
0x1f: {  	s9 =	smul.u32 $0xF7A, s1;
	s8 =	simm.s32 @!p0 $0x1BF5;
	p2 =	por !p2, p0  }
0x20: {  	[sflag:s8] =	ssyncset.s32 @!p0 $0xFFFFF086;
	s6 =	sadd.s32 @!p0 s3, s7;
	s7 =	simm.s32 @!p0 $0x108  }
0x21: {  	s3 =	sadd.s32 s3, s9;
	s6 =	sadd.s32 @!p0 $0x88, s6;
	s7 =	simm.s32 @p2 $0x1082  }
0x22: {  	[simem:s7], [sflag:s8] =	dma.local @!p0 [hbm:s6], $0xF7A  }
0x23: {  	s9 =	sor.u32 $0xD0000000, s2;
	s6 =	simm.s32 $0x108;
	_ =	swait.ge @!p0 [sflag:s8], $0x0  }
0x24: {  	s3 =	sadd.s32 $0x88, s3;
	s6 =	simm.s32 @!p1 $0x1082;
	[sflag:s4] =	ssyncset.s32 $0xFFFFF086  }
0x25: {  	[simem:s6], [sflag:s4] =	dma.local [hbm:s3], $0xF7A  }
0x26: {  	[smem:$0x3F9C] =	sst s1;
	(tag) =	ssettag s2;
	_ =	strace s9  }
0x27: {  	s1 =	sld [smem:$0x3FAC]  }
0x28: {  	s2 =	sld [smem:$0x3FAD]  }
0x29: {  	s4 =	sld [smem:$0x3FAF]  }
0x2a: {  	p0 =	seq.s32 s5, $0x0;
	s5 =	sld [smem:$0x3FB0]  }
0x2b: {  	s6 =	sld [smem:$0x3FB1]  }
0x2c: {  	s7 =	sld [smem:$0x3FB2]  }
0x2d: {  	s3 =	simm.s32 $0x108;
	s8 =	sld [smem:$0x3FB3]  }
0x2e: {  	s3 =	simm.s32 @!p0 $0x1082;
	s9 =	sld [smem:$0x3FB4]  }
0x2f: {  	lr =	sadd.s32 s0, s3;
	s0 =	sld [smem:$0x3FAB]  }
0x30: {  	s3 =	sld [smem:$0x3FAE]  }
0x31: {  	[smem:$0x3FB7] =	sst s10  }
0x32: {  	s10 =	sld [smem:$0x3FB5];
	_ =	sdelay $0x3  }
0x33: {  	p0 =	seq.s32 s10, $0x1;
	s10 =	sld [smem:$0x3FB7];
	_ =	sdelay $0x3  }
0x34: {  	[smem:$0x3FB7] =	sst s10  }
0x35: {  	s10 =	sld [smem:$0x3FB6];
	_ =	sdelay $0x3  }
0x36: {  	p1 =	seq.s32 s10, $0x1;
	s10 =	sld [smem:$0x3FB7];
	_ =	sdelay $0x3  }
0x37: {  	[smem:$0x3FB7] =	sst s10  }
0x38: {  	s10 =	sld [smem:$0x3FB8]  }
0x39: {  	_ = 	snop;
	(pc) =	sbr.ind lr, $3  }
0x3a: {  	_ = 	snop  }
0x3b: {  	_ = 	snop  }
0x3c: {  	p2 =	seq.s32 s10, $0x1;
	s10 =	sld [smem:$0x3FB7]  }
0x3d: {  	_ =	shalt  }
0x3e: {  	_ =	shalt  }
0x3f: {  	_ =	shalt  }
0x40: {  	_ =	shalt  }
0x41: {  	_ =	shalt  }
0x42: {  	_ =	shalt  }
0x43: {  	_ =	shalt  }
0x44: {  	_ =	shalt  }
0x45: {  	_ =	shalt  }
0x46: {  	_ =	shalt  }
0x47: {  	_ =	shalt  }
0x48: {  	_ =	shalt  }
0x49: {  	_ =	shalt  }
0x4a: {  	_ =	shalt  }
0x4b: {  	_ =	shalt  }
0x4c: {  	_ =	shalt  }
0x4d: {  	_ =	shalt  }
0x4e: {  	_ =	shalt  }
0x4f: {  	_ =	shalt  }
0x50: {  	_ =	shalt  }
0x51: {  	_ =	shalt  }
0x52: {  	_ =	shalt  }
0x53: {  	_ =	shalt  }
0x54: {  	_ =	shalt  }
0x55: {  	_ =	shalt  }
0x56: {  	_ =	shalt  }
0x57: {  	_ =	shalt  }
0x58: {  	_ =	shalt  }
0x59: {  	_ =	shalt  }
0x5a: {  	_ =	shalt  }
0x5b: {  	_ =	shalt  }
0x5c: {  	_ =	shalt  }
0x5d: {  	_ =	shalt  }
0x5e: {  	_ =	shalt  }
0x5f: {  	_ =	shalt  }
0x60: {  	_ =	shalt  }
0x61: {  	_ =	shalt  }
0x62: {  	_ =	shalt  }
0x63: {  	_ =	shalt  }
0x64: {  	_ =	shalt  }
0x65: {  	_ =	shalt  }
0x66: {  	_ =	shalt  }
0x67: {  	_ =	shalt  }
0x68: {  	_ =	shalt  }
0x69: {  	_ =	shalt  }
0x6a: {  	_ =	shalt  }
0x6b: {  	_ =	shalt  }
0x6c: {  	_ =	shalt  }
0x6d: {  	_ =	shalt  }
0x6e: {  	_ =	shalt  }
0x6f: {  	_ =	shalt  }
0x70: {  	_ =	shalt  }
0x71: {  	_ =	shalt  }
0x72: {  	_ =	shalt  }
0x73: {  	_ =	shalt  }
0x74: {  	_ =	shalt  }
0x75: {  	_ =	shalt  }
0x76: {  	_ =	shalt  }
0x77: {  	_ =	shalt  }
0x78: {  	_ =	shalt  }
0x79: {  	_ =	shalt  }
0x7a: {  	_ =	shalt  }
0x7b: {  	_ =	shalt  }
0x7c: {  	_ =	shalt  }
0x7d: {  	_ =	shalt  }
0x7e: {  	_ =	shalt  }
0x7f: {  	_ =	shalt  }
0x80: {  	_ =	shalt  }
0x81: {  	_ =	shalt  }
0x82: {  	_ =	shalt  }
0x83: {  	_ =	shalt  }
0x84: {  	_ =	shalt  }
0x85: {  	_ =	shalt  }
0x86: {  	_ =	shalt  }
0x87: {  	_ =	shalt  }
.Lfunc_end0:
.L_simem_size_0:
called_computation.2_lowered:
.L_overlay_start_0:
0x88: {  	s2 =	sld [smem:$0x3FD9]  }
0x89: {  	s3 =	sld [smem:$0x3FFE];
	_ =	sdelay $0x1  }
0x8a: {  	s1 =	srdreg.scid  }
0x8b: {  	s0 =	sand.u32 $0x1, s1  }
0x8c: {  	s17 =	sshll.u32 s0, $0xA;
	s2 =	sadd.s32 s3, s2  }
0x8d: {  	s2 =	sadd.s32 s2, s17  }
0x8e: {  	[smem:$0x3FC3] =	sst s2  }
0x8f: {  	_ = 	snop  }
0x90: {  	s18 =	sld [smem:$0x3FC9];
	(tm) =	ssettm $0x1  }
0x91: {  	s19 =	sld [smem:$0x3FFB];
	_ =	sdelay $0x3  }
0x92: {  	_ =	strace s19  }
0x93: {  	s2 =	sld [smem:$0x3FFC];
	_ =	sdelay $0x3  }
0x94: {  	_ =	strace s2  }
0x95: {  	s2 =	sld [smem:$0x3FFD];
	_ =	sdelay $0x3  }
0x96: {  	_ =	strace s2  }
0x97: {  	_ =	strace $0x8FFFFFFF  }
0x98: {  	s20 =	sld [smem:$0x3FDB];
	_ =	sdelay $0x1  }
0x99: {  	s4 =	simm.s32 $_scs_section_size  }
0x9a: {  	s5 =	simm.s32 $_size__tile_overlayer_lowered;
	s6 =	simm.s32 $_tile_overlayer_lowered  }
0x9b: {  	s7 =	simm.s32 $0x1BFF;
	s21 =	sshll.u32 s6, $0x1;
	s4 =	sadd.s32 s4, s20  }
0x9c: {  	s22 =	simm.s32 $0x0;
	s5 =	sshll.u32 s5, $0x1;
	s6 =	sadd.s32 s21, s4  }
0x9d: {  	[timem:s22], [sflag:s7] =	dma.local [hbm:s6], s5  }
0x9e: {  	_ =	swait.ge [sflag:s7], s5  }
0x9f: {  	s5 =	ssub.s32 $0x0, s5;
	[sflag:s7] =	ssyncset.done $0x0  }
0xa0: {  	[sflag:s7] =	ssyncadd.s32 s5;
	_ =	sdelay $0x1  }
0xa1: {  	s23 =	simm.s32 $0x1B8B  }
0xa2: {  	_ =	swait.ge [sflag:s23], $0x1  }
0xa3: {  	[sflag:s23] =	ssyncset.done $0x0  }
0xa4: {  	[sflag:s23] =	ssyncadd.s32 $0xFFFFFFFF  }
0xa5: {  	s5 =	sld [smem:$0x0]  }
0xa6: {  	s6 =	sand.u32 $0xFFFFFFFE, s1  }
0xa7: {  	p0 =	sne.s32 s1, s6  }
0xa8: {  	s6 =	sshll.u32 @p0 s6, $0xE  }
0xa9: {  	s6 =	sadd.s32 @p0 $0x11B8D, s6;
	s7 =	sshll.u32 @p0 s5, $0x11  }
0xaa: {  	s6 =	sor.u32 @p0 s7, s6  }
0xab: {  	[sflag:s6] =	ssyncadd.remote.s32 @p0 $0x1;
	_ =	sdelay $0x1  }
0xac: {  	s6 =	simm.s32 @p0 $0x1B8D  }
0xad: {  	_ =	swait.eq @p0 [sflag:s6], $0x1  }
0xae: {  	[sflag:s6] =	ssyncadd.s32 @p0 $0xFFFFFFFF  }
0xaf: {  	s7 =	sshll.u32 @!p0 s1, $0xE  }
0xb0: {  	s7 =	sor.u32 @!p0 $0x4000, s7;
	s6 =	simm.s32 @!p0 $0x1B8D  }
0xb1: {  	s5 =	sshll.u32 @!p0 s5, $0x11;
	s7 =	sadd.s32 @!p0 $0x11B8D, s7;
	_ =	swait.eq @!p0 [sflag:s6], $0x1  }
0xb2: {  	s5 =	sor.u32 @!p0 s5, s7;
	[sflag:s6] =	ssyncadd.s32 @!p0 $0xFFFFFFFF  }
0xb3: {  	s25 =	simm.s32 $0x1B8E;
	s24 =	sld [smem:$0x3FFE];
	[sflag:s5] =	ssyncadd.remote.s32 @!p0 $0x1  }
0xb4: {  	s26 =	simm.s32 $execute0_lowered;
	[smem:$0x3FD2] =	sst s25  }
0xb5: {  	s6 =	sshll.u32 s26, $0x1;
	_ =	strace $0x80000049;
	[dreg:$0x1] =	wrdreg $0xFFFFFFFF  }
0xb6: {  	s28 =	simm.s32 $_size_execute0_lowered;
	s4 =	sadd.s32 s4, s6;
	[dreg:$0x0] =	wrdreg $0x0  }
0xb7: {  	s6 =	sshll.u32 s28, $0x1;
	[dreg:$0x2] =	wrdreg s4  }
0xb8: {  	[dreg:$0x3] =	wrdreg s6  }
0xb9: {  	[dreg:$0x4] =	wrdreg $0xC0  }
0xba: {  	_ =	task [dreg:s22], $0x5FFFF  }
0xbb: {  	[dreg:$0x1] =	wrdreg $0xFFFFFFFF  }
0xbc: {  	[dreg:$0x0] =	wrdreg $0x60  }
0xbd: {  	[dreg:$0x2] =	wrdreg s18  }
0xbe: {  	[dreg:$0x3] =	wrdreg s24  }
0xbf: {  	[dreg:$0x4] =	wrdreg $0xA  }
0xc0: {  	_ =	task.clear_ibuf [dreg:s22], $0x5FFFF;
	_ =	strace $0x90000049  }
0xc1: {  	s29 =	simm.s32 $0xA;
	_ =	strace $0x8000004B  }
0xc2: {  	_ =	swait.ge [sflag:s29], $0x1  }
0xc3: {  	[sflag:s29] =	ssyncadd.s32 $0xFFFFFFFF  }
0xc4: {  	_ =	strace $0x9000004B  }
0xc5: {  	_ =	sfence  }
0xc6: {  	s30 =	sld [smem:$0x0];
	_ =	sdelay $0x2  }
0xc7: {  	s31 =	sshll.u32 s1, $0xD;
	s1 =	sshrl.u32 s1, $0x2  }
0xc8: {  	s4 =	sand.u32 $0x4000, s31;
	s1 =	sadd.s32 s1, s30  }
0xc9: {  	s0 =	sor.u32 s4, s0;
	s1 =	sshll.u32 s1, $0x11  }
0xca: {  	s0 =	sor.u32 s1, s0  }
0xcb: {  	s0 =	sadd.s32 $0x8F2B, s0  }
0xcc: {  	[sflag:s0] =	ssyncadd.remote.s32 $0x1  }
0xcd: {  	_ =	sfence.sel $0xFFFF  }
0xce: {  	[dreg:$0x0] =	wrdreg $0xFFFFFFFF;
	(pc) =	sbr.abs _section_cstart, $3  }
0xcf: {  	[dreg:$0x1] =	wrdreg $0xFFFFFFFF  }
0xd0: {  	_ =	task.clear_ibuf [dreg:s22], $0x2FFFF;
	_ =	strace $0x9FFFFFFF  }
0xd1: {  	(tm) =	ssettm $0x7FFFFFFF  }
tec
execute0_lowered:
.L_overlay_start_1:
0x0: {  	(tag) =	ssettag $0x1  }
0x1: {  	s1 =	srdreg.scid;
	s0 =	stileid.u32  }
0x2: {  	s4 =	sand.u32 $0x1, s1;
	s29 =	sshll.u32 s0, $0x1  }
0x3: {  	s2 =	rddreg [dreg:$0x0];
	s1 =	sor.u32 s4, s29  }
0x4: {  	s5 =	rddreg [dreg:$0x1];
	s3 =	simm.s32 $0x0;
	s6 =	smul.u32 $0x7A20, s1  }
.Ltmp0:
0x5: {  	[smem:$0x7FF] =	sst s3;
	s4 =	ssub.s32 $0x2, s4;
	(pc) =	sbr.rel .LBB2_1-.Ltmp0, $4  }
0x6: {  	s1 =	rddreg [dreg:$0x2];
	s8 =	sshrl.u32 s4, $0x1;
	_ =	strace $0x8000004A  }
0x7: {  	s30 =	ssub.s32 s4, s8;
	s8 =	simm.s32 $0x0;
	s7 =	sshrl.u32 s6, $0x3  }
0x8: {  	v2 =	vimm.s32 $0xFFFFFFFF;
	s31 =	sadd.s32 $0x7A20, s6;
	v0 =	vmov s6;
	s6 =	simm.s32 $0x1;
	s5 =	sadd.s32 s7, s5  }
0x9: {  	v3 =	vlaneseq.u32;
	v4 =	vimm.f32 $0.0e+00;
	v1 =	vmov s31;
	s7 =	simm.s32 $0x4000;
	s4 =	sadd.s32 $0x12A00, s5;
	s5 =	smax.u32 s30, $0x1  }
.LBB2_7:
0xa: {  	s8 =	sadd.s32 $0x1, s8  }
0xb: {  	p0 =	sne.s32 s8, s5  }
.Ltmp1:
0xc: {  	_ = 	snop;
	(pc) =	sbr.rel @!p0 .LBB2_8-.Ltmp1, $4  }
0xd: {  	[hbm4b:s4+s3] =	stream.linear.scatter [tilespmem:s7], [sflag:$0x1], $0x7A20, $0x38;
	[tilespmem:$0xBA20] =	vst v63  }
0xe: {  	_ =	swait.ge [sflag:s6], $0x7A20  }
0xf: {  	[sflag:s6] =	ssyncset.done $0x0  }
0x10: {  	[sflag:s6] =	ssyncadd.s32 $0xFFFF85E0  }
.LBB2_1:
0x11: {  	s9 =	simm.s32 $0x40;
	s10 =	simm.s32 $0x0  }
.LBB2_2:
0x12: {  	p0 =	sne.s32 s9, $0x1E840;
	[tilespmem:s10+$0x4000] =	vst v2;
	s10 =	smov.u32 s9;
	s9 =	sadd.s32 $0x40, s9  }
.Ltmp2:
0x13: {  	(pc) =	sbr.rel @p0 .LBB2_2-.Ltmp2, $2  }
0x14: {  	_ =	sdelay $0x2  }
0x15: {  	s10 =	sshra.s32 s10, $0x2  }
.Ltmp3:
0x16: {  	[tilespmem:s10+$0x4000] =	vst v2;
	s9 =	simm.s32 $0x0;
	(pc) =	sbr.rel .LBB2_4-.Ltmp3, $4  }
0x17: {  	[tilespmem:s9], [sflag:$0x1] =	stream.linear.gather [hbm4b:s2+s9], $0x4000, $0x38;
	[tilespmem:$0xBA20] =	vst v63  }
0x18: {  	_ =	swait.ge [sflag:s6], $0x4000  }
0x19: {  	[sflag:s6] =	ssyncset.done $0x0  }
0x1a: {  	[sflag:s6] =	ssyncadd.s32 $0xFFFFC000  }
.LBB2_6:
0x1b: {  	s9 =	sadd.s32 $0x1, s9  }
0x1c: {  	p0 =	sne.s32 s9, $0x400  }
.Ltmp4:
0x1d: {  	_ = 	snop;
	(pc) =	sbr.rel @!p0 .LBB2_7-.Ltmp4, $1  }
0x1e: {  	_ =	sdelay $0x3  }
.LBB2_4:
0x1f: {  	s10 =	sshll.u32 s9, $0x4  }
0x20: {  	v5 =	vld [tilespmem:s10+$0x0];
	_ =	sdelay $0x4  }
0x21: {  	vm0 =	vge.s32 v5, v0;
	vm1 =	vlt.s32 v5, v1  }
0x22: {  	v5 =	vsub.s32 v5, v0;
	vm0 =	vmand vm0, vm1  }
0x23: {  	v5 =	vnsel vm0, $0x0, v5;
	_ =	sdelay $0x4  }
0x24: {  	v7 =	vld.idx.msk [tilespmem:v5+s7+$0x0], $0xffff;
	_ =	sdelay $0x3  }
0x25: {  	v6 =	vor.u32 s10, v3  }
0x26: {  	vm1 =	vlt.s32 v7, v6  }
0x27: {  	vm1 =	vmand vm0, vm1;
	_ =	sdelay $0x5  }
0x28: {  	[tilespmem:v5+s7+$0x0] =	vst.idx.msk vm1, v6  }
0x29: {  	v7 =	vld.idx.msk [tilespmem:v5+s7+$0x0], $0xffff;
	_ =	sdelay $0x4  }
0x2a: {  	vm1 =	vlt.s32 v7, v6  }
0x2b: {  	vm1 =	vmand vm0, vm1  }
0x2c: {  	v7 =	vsel vm1, $0x3F800000, v4  }
0x2d: {  	(xrf0) =	vmax.scan.msk.f32 $0xffff, v7;
	_ =	sdelay $0x5  }
0x2e: {  	v7, _, _ =	vpop (xrf0)  }
0x2f: {  	(v2sf) =	vpush v7, $0xF;
	_ =	sdelay $0xe  }
0x30: {  	s31 =	spop (v2sf)  }
0x31: {  	p0 =	sgt.f32 s31, $0.0e+00  }
.Ltmp5:
0x32: {  	_ = 	snop;
	(pc) =	sbr.rel @!p0 .LBB2_6-.Ltmp5, $1  }
0x33: {  	_ =	sdelay $0x3  }
.LBB2_5:
0x34: {  	v7 =	vld.idx.msk [tilespmem:v5+s7+$0x0], $0xffff;
	_ =	sdelay $0x4  }
0x35: {  	vm1 =	vlt.s32 v7, v6  }
0x36: {  	vm1 =	vmand vm0, vm1;
	_ =	sdelay $0x5  }
0x37: {  	[tilespmem:v5+s7+$0x0] =	vst.idx.msk vm1, v6  }
0x38: {  	v7 =	vld.idx.msk [tilespmem:v5+s7+$0x0], $0xffff;
	_ =	sdelay $0x4  }
0x39: {  	vm1 =	vlt.s32 v7, v6  }
0x3a: {  	vm1 =	vmand vm0, vm1  }
0x3b: {  	v7 =	vsel vm1, $0x3F800000, v4  }
0x3c: {  	(xrf0) =	vmax.scan.msk.f32 $0xffff, v7;
	_ =	sdelay $0x5  }
0x3d: {  	v7, _, _ =	vpop (xrf0)  }
0x3e: {  	(v2sf) =	vpush v7, $0xF;
	_ =	sdelay $0xe  }
0x3f: {  	s10 =	spop (v2sf)  }
0x40: {  	p0 =	sgt.f32 s10, $0.0e+00  }
.Ltmp6:
0x41: {  	_ = 	snop;
	(pc) =	sbr.rel @p0 .LBB2_5-.Ltmp6, $1  }
0x42: {  	_ =	sdelay $0x3  }
.Ltmp7:
0x43: {  	_ = 	snop;
	(pc) =	sbr.rel .LBB2_6-.Ltmp7, $1  }
0x44: {  	_ =	sdelay $0x3  }
.LBB2_8:
0x45: {  	_ =	sfence.sel $0x180000  }
0x46: {  	[bflag:$0x0] =	sbarrier.arrive $0xFFFF  }
0x47: {  	p0 =	sne.s32 s0, $0x0;
	_ =	strace $0x9000004A  }
0x48: {  	s0 =	sadd.s32 @!p0 $0x100000, s1;
	[bflag:$0x2] =	sbarrier.arrive $0xFFFF  }
0x49: {  	[sflag:s0] =	ssyncadd.tile.s32 @!p0 $0x1;
	_ =	shalt  }
.Lfunc_end2:
_tile_overlayer_lowered:
.L_overlay_start_2:
0x4a: {  	(tag) =	ssettag $0x2  }
0x4b: {  	s0 =	rddreg [dreg:$0x0];
	s2 =	stileid.u32  }
0x4c: {  	s1 =	rddreg [dreg:$0x1];
	p0 =	sne.s32 s2, $0x0  }
0x4d: {  	s3 =	rddreg [dreg:$0x2];
	[bflag:$0x3] =	sbarrier.arrive $0xFFFF;
	s2 =	simm.s32 @!p0 $0x1C01  }
0x4e: {  	[timem:s3], [sflag:s2] =	dma.local @!p0 [hbm:s0], s1  }
0x4f: {  	s0 =	simm.s32 @!p0 $0x1  }
0x50: {  	_ =	swait.ge @!p0 [sflag:s0], s1  }
0x51: {  	s1 =	ssub.s32 @!p0 $0x0, s1;
	[sflag:s0] =	ssyncset.done @!p0 $0x0  }
0x52: {  	[sflag:s0] =	ssyncadd.s32 @!p0 s1  }
0x53: {  	[bflag:$0x3] =	sbarrier.arrive $0xFFFF  }
0x54: {  	_ =	shalt  }

// kernel: sparse-core-data-format-call.cloned.1.call-start
scs
called_computation_lowered:
.L_overlay_start_0:
0x0: {  	s2 =	sld [smem:$0x3FD9]  }
0x1: {  	s3 =	sld [smem:$0x3FFE];
	_ =	sdelay $0x1  }
0x2: {  	s1 =	srdreg.scid  }
0x3: {  	s0 =	sand.u32 $0x1, s1  }
0x4: {  	s15 =	sshll.u32 s0, $0xA;
	s2 =	sadd.s32 s3, s2  }
0x5: {  	s2 =	sadd.s32 s2, s15  }
0x6: {  	[smem:$0x3FC3] =	sst s2  }
0x7: {  	_ = 	snop  }
0x8: {  	s2 =	sld [smem:$0x3FD0];
	_ =	sdelay $0x2  }
0x9: {  	s16 =	simm.s32 $0xB;
	s4 =	simm.s32 $0x10  }
0xa: {  	[smem:s4], [sflag:s16] =	dma.local [hbm:s2], $0x1  }
0xb: {  	_ =	swait.eq [sflag:s16], $0x1  }
0xc: {  	[sflag:s16] =	ssyncset.done $0x0  }
0xd: {  	[sflag:s16] =	ssyncadd.s32 $0xFFFFFFFF  }
0xe: {  	s17 =	sld [smem:$0x11];
	(tm) =	ssettm $0x1  }
0xf: {  	s18 =	sld [smem:$0x3FFB];
	_ =	sdelay $0x3  }
0x10: {  	_ =	strace s18  }
0x11: {  	s3 =	sld [smem:$0x3FFC];
	_ =	sdelay $0x3  }
0x12: {  	_ =	strace s3  }
0x13: {  	s3 =	sld [smem:$0x3FFD];
	_ =	sdelay $0x3  }
0x14: {  	_ =	strace s3  }
0x15: {  	_ =	strace $0x8FFFFFFF  }
0x16: {  	s19 =	sld [smem:$0x3FDB];
	_ =	sdelay $0x1  }
0x17: {  	s20 =	simm.s32 $_scs_section_size  }
0x18: {  	s5 =	simm.s32 $_size__tile_overlayer_lowered;
	s6 =	simm.s32 $_tile_overlayer_lowered  }
0x19: {  	s23 =	simm.s32 $0x1BFF;
	s22 =	sshll.u32 s6, $0x1;
	s3 =	sadd.s32 s20, s19  }
0x1a: {  	s7 =	simm.s32 $0x0;
	s21 =	sshll.u32 s5, $0x1;
	s5 =	sadd.s32 s22, s3  }
0x1b: {  	[timem:s7], [sflag:s23] =	dma.local [hbm:s5], s21  }
0x1c: {  	_ =	swait.ge [sflag:s23], s21  }
0x1d: {  	s4 =	ssub.s32 $0x0, s21;
	[sflag:s23] =	ssyncset.done $0x0  }
0x1e: {  	[sflag:s23] =	ssyncadd.s32 s4;
	_ =	sdelay $0x1  }
0x1f: {  	s24 =	simm.s32 $0x1B8B  }
0x20: {  	_ =	swait.ge [sflag:s24], $0x1  }
0x21: {  	[sflag:s24] =	ssyncset.done $0x0  }
0x22: {  	s26 =	simm.s32 $0x1B8E;
	s25 =	sld [smem:$0x3FFE];
	[sflag:s24] =	ssyncadd.s32 $0xFFFFFFFF  }
0x23: {  	s27 =	simm.s32 $execute0_lowered;
	[smem:$0x3FD2] =	sst s26  }
0x24: {  	s5 =	sshll.u32 s27, $0x1;
	_ =	strace $0x8000004F;
	[dreg:$0x1] =	wrdreg $0xFFFFFFFF  }
0x25: {  	s28 =	simm.s32 $_size_execute0_lowered;
	s3 =	sadd.s32 s3, s5;
	[dreg:$0x0] =	wrdreg $0x0  }
0x26: {  	s5 =	sshll.u32 s28, $0x1;
	[dreg:$0x2] =	wrdreg s3  }
0x27: {  	[dreg:$0x3] =	wrdreg s5  }
0x28: {  	[dreg:$0x4] =	wrdreg $0xC0  }
0x29: {  	_ =	task [dreg:s7], $0x5FFFF  }
0x2a: {  	[dreg:$0x1] =	wrdreg $0xFFFFFFFF  }
0x2b: {  	[dreg:$0x0] =	wrdreg $0x60  }
0x2c: {  	[dreg:$0x2] =	wrdreg s25  }
0x2d: {  	[dreg:$0x3] =	wrdreg s17  }
0x2e: {  	[dreg:$0x4] =	wrdreg $0x9  }
0x2f: {  	_ =	task.clear_ibuf [dreg:s7], $0x5FFFF;
	_ =	strace $0x9000004F  }
0x30: {  	s29 =	simm.s32 $0x9;
	_ =	strace $0x80000051  }
0x31: {  	_ =	swait.ge [sflag:s29], $0x1  }
0x32: {  	[sflag:s29] =	ssyncadd.s32 $0xFFFFFFFF  }
0x33: {  	_ =	strace $0x90000051  }
0x34: {  	_ =	sfence  }
0x35: {  	s30 =	sld [smem:$0x0];
	_ =	sdelay $0x2  }
0x36: {  	s31 =	sshll.u32 s1, $0xD;
	s1 =	sshrl.u32 s1, $0x2  }
0x37: {  	s3 =	sand.u32 $0x4000, s31;
	s1 =	sadd.s32 s1, s30  }
0x38: {  	s0 =	sor.u32 s3, s0;
	s1 =	sshll.u32 s1, $0x11  }
0x39: {  	s0 =	sor.u32 s1, s0  }
0x3a: {  	s0 =	sadd.s32 $0x8F2B, s0  }
0x3b: {  	[sflag:s0] =	ssyncadd.remote.s32 $0x1  }
0x3c: {  	_ =	sfence.sel $0xFFFF  }
0x3d: {  	[dreg:$0x0] =	wrdreg $0xFFFFFFFF;
	(pc) =	sbr.abs _section_cstart, $3  }
0x3e: {  	[dreg:$0x1] =	wrdreg $0xFFFFFFFF  }
0x3f: {  	_ =	task.clear_ibuf [dreg:s7], $0x2FFFF;
	_ =	strace $0x9FFFFFFF  }
0x40: {  	(tm) =	ssettm $0x7FFFFFFF  }
0x41: {  	_ =	shalt  }
tec
execute0_lowered:
.L_overlay_start_1:
0x0: {  	(tag) =	ssettag $0x1  }
0x1: {  	s4 =	rddreg [dreg:$0x0]  }
0x2: {  	s0 =	srdreg.scid;
	s2 =	rddreg [dreg:$0x1]  }
0x3: {  	s1 =	stileid.u32;
	s5 =	simm.s32 $0x1;
	s0 =	sshll.u32 s0, $0x4  }
0x4: {  	s7 =	simm.s32 $0x2;
	s11 =	simm.s32 $0x0;
	s3 =	sand.u32 $0x10, s0  }
.Ltmp0:
0x5: {  	p0 =	por $0x0, $0x0;
	s3 =	sor.u32 s1, s3;
	(pc) =	sbr.rel .LBB1_1-.Ltmp0, $4  }
0x6: {  	s8 =	simm.s32 $0x7A1400;
	s10 =	simm.s32 $0x0;
	s3 =	sshll.u32 s3, $0x7  }
0x7: {  	s0 =	rddreg [dreg:$0x2];
	_ =	strace $0x80000050;
	s6 =	ssub.s32 $0xF4200, s3  }
0x8: {  	s4 =	sadd.s32 $0x2200, s4;
	[sflag:s5] =	ssyncpa.u1 $0x0;
	s6 =	sshrl.u32 s6, $0xC  }
0x9: {  	[sflag:s7] =	ssyncpa.u1 $0x0;
	s9 =	smov.u32 s3;
	s7 =	sadd.s32 $0x2, s6  }
.LBB1_5:
0xa: {  	s13 =	sadd.s32 $0x1000, s9  }
0xb: {  	p2 =	sgt.s32 s13, $0xF423F  }
0xc: {  	s13 =	smov.u32 @p2 s3;
	p2 =	sne.s32 s10, s7  }
.Ltmp1:
0xd: {  	p1 =	slt.u32 s10, $0x2;
	(pc) =	sbr.rel @!p2 .LBB1_6-.Ltmp1, $4  }
0xe: {  	s12 =	simm.s32 @!p1 $0x2  }
0xf: {  	s14 =	sadd.s32 $0x1, s10;
	_ =	swait.ge @!p1 [sflag:s12], $0x1000  }
0x10: {  	s11 =	smov.u32 s9;
	p0 =	por !p0, !p0;
	[sflag:s12] =	ssyncset.done @!p1 $0x0  }
0x11: {  	s10 =	smov.u32 s14;
	s9 =	smov.u32 s13;
	[sflag:s12] =	ssyncadd.s32 @!p1 $0xFFFFF000  }
.LBB1_1:
0x12: {  	p1 =	sgt.u32 s10, s6  }
0x13: {  	s13 =	smov.u32 s9;
	p2 =	sgt.s32 @!p1 s9, $0xF41C0  }
0x14: {  	s12 =	sand.u32 @!p1 $0x1FFFFFF, s9;
	s14 =	sshra.s32 @!p1 s9, $0x1F;
	p2 =	por !p2, p1  }
0x15: {  	s15 =	smulhi.u32 @!p1 $0x218DEF5, s12;
	s14 =	sand.u32 @!p1 s14, s9;
	s13 =	simm.s32 @p2 $0xF41C0  }
0x16: {  	s13 =	ssub.s32 @!p1 s13, s14  }
0x17: {  	s14 =	sshrl.u32 @!p1 s15, $0xD;
	s13 =	sadd.s32 @!p1 $0xFFF0BE40, s13  }
0x18: {  	s15 =	sxor.u32 @!p1 $0xFFFFFFFF, s10;
	s14 =	smul.u32 @!p1 $0xF4240, s14;
	s16 =	sshll.u32 @!p1 s13, $0x7  }
0x19: {  	s15 =	sshll.u32 @!p1 s15, $0xC;
	p2 =	sgt.s32 @!p1 s13, $0x7F;
	s13 =	ssub.s32 @!p1 $0x4000, s16  }
0x1a: {  	s12 =	ssub.s32 @!p1 s12, s14;
	p2 =	por !p2, p1;
	s14 =	sand.u32 @!p1 $0x1000, s15  }
0x1b: {  	s15 =	simm.s32 @!p1 $0x20;
	s13 =	sshrl.u32 @!p1 s13, $0x2;
	s12 =	sshll.u32 @!p1 s12, $0x4  }
0x1c: {  	s16 =	simm.s32 @!p1 $0x80;
	s13 =	simm.s32 @!p2 $0x0;
	s12 =	sadd.s32 @!p1 s4, s12  }
0x1d: {  	[tilespmem:s14], [sflag:$0x1] =	stream.strided.gather @!p1 [hbm4b:s12+s15], s13, s16, s15, $0x38;
	[tilespmem:$0x4040] =	vst v63  }
0x1e: {  	p1 =	seq.s32 s10, $0x0  }
0x1f: {  	p2 =	sge.u32 @!p1 s10, s7  }
0x20: {  	p1 =	por p1, p2  }
.Ltmp2:
0x21: {  	_ = 	snop;
	(pc) =	sbr.rel @p1 .LBB1_5-.Ltmp2, $1  }
0x22: {  	_ =	sdelay $0x3  }
0x23: {  	p1 =	sgt.s32 s11, $0xF41C0;
	s12 =	smov.u32 s11;
	s13 =	sshra.s32 s11, $0x1F  }
0x24: {  	s12 =	simm.s32 @!p1 $0xF41C0;
	s13 =	sand.u32 s13, s11  }
0x25: {  	s12 =	ssub.s32 s12, s13  }
0x26: {  	s12 =	sadd.s32 $0xFFF0BE40, s12  }
0x27: {  	s28 =	sshll.u32 s12, $0x7  }
0x28: {  	s13 =	ssub.s32 $0x4000, s28  }
0x29: {  	p1 =	sgt.s32 s12, $0x7F;
	s12 =	sshrl.u32 s13, $0x2  }
0x2a: {  	s13 =	simm.s32 $0x1;
	s12 =	simm.s32 @p1 $0x0  }
0x2b: {  	s13 =	simm.s32 @!p0 $0x0;
	_ =	swait.ge [sflag:s5], s12  }
0x2c: {  	s14 =	sshll.u32 s13, $0xC;
	s12 =	ssub.s32 $0x0, s12;
	[sflag:s5] =	ssyncset.done $0x0  }
0x2d: {  	s16 =	sor.u32 $0x10, s14;
	[sflag:s5] =	ssyncadd.s32 s12  }
0x2e: {  	s29 =	smul.u32 $0x4080, s13;
	v1 =	vld [tilespmem:s16+$0x0]  }
0x2f: {  	s30 =	sand.u32 $0x1, s10;
	v0 =	vld [tilespmem:s16+$0xFFFFFFF0]  }
0x30: {  	s13 =	smul.u32 $0x4080, s30;
	s12 =	sshrl.u32 s29, $0x2  }
0x31: {  	s14 =	sor.u32 $0x2000, s12  }
0x32: {  	s31 =	sshrl.u32 s13, $0x2;
	s13 =	sadd.s32 $0x0, s14  }
0x33: {  	s15 =	simm.s32 $0x4;
	s12 =	sor.u32 $0x2000, s31;
	s16 =	sadd.s32 $0x20, s16;
	[tilespmem:s13+$0x810 ss:$0x81] =	vst.msk $0xffff, v1  }
.LBB1_3:
0x34: {  	v1 =	vld [tilespmem:s16+$0x0];
	p1 =	sne.s32 s15, $0x1FC;
	[tilespmem:s13+$0x0 ss:$0x81] =	vst.msk $0xffff, v0;
	s13 =	smov.u32 s15;
	s15 =	sadd.s32 $0x4, s15  }
.Ltmp3:
0x35: {  	v0 =	vld [tilespmem:s16+$0xFFFFFFF0];
	(pc) =	sbr.rel @p1 .LBB1_3-.Ltmp3, $4  }
0x36: {  	_ = 	snop  }
0x37: {  	s13 =	sshra.s32 s13, $0x2  }
0x38: {  	s13 =	sadd.s32 s13, s14  }
0x39: {  	s16 =	sadd.s32 $0x20, s16;
	[tilespmem:s13+$0x810 ss:$0x81] =	vst.msk $0xffff, v1  }
0x3a: {  	s14 =	sshll.u32 s11, $0x3  }
0x3b: {  	s30 =	sand.u32 $0x7F, s11;
	s14 =	sand.u32 $0xFFFFFC00, s14  }
0x3c: {  	s11 =	sor.u32 s30, s14  }
0x3d: {  	s15 =	smulhi.u32 $0x218D6287, s11;
	_ =	sdelay $0x1  }
0x3e: {  	s14 =	smulhi.u32 $0x218D6287, s14;
	s15 =	sshrl.u32 s15, $0x11  }
0x3f: {  	s15 =	smul.u32 $0xF4280, s15  }
0x40: {  	s14 =	sshrl.u32 s14, $0x11  }
.Ltmp4:
0x41: {  	s14 =	sand.u32 $0x1F, s14;
	s11 =	ssub.s32 s11, s15;
	(pc) =	sbr.rel .LBB1_5-.Ltmp4, $4  }
0x42: {  	s14 =	smul.u32 $0x1E850, s14;
	s15 =	sshrl.u32 s11, $0x3;
	s11 =	sand.u32 $0x7, s11  }
0x43: {  	s15 =	sadd.s32 s2, s15;
	s11 =	sshll.u32 s11, $0x12  }
0x44: {  	[tilespmem:s13+$0x0 ss:$0x81] =	vst.msk $0xffff, v0;
	s31 =	sadd.s32 s14, s15;
	s11 =	sor.u32 $0x400, s11  }
0x45: {  	[hbm4b:s31+s11] =	stream.strided.scatter [tilespmem:s12], [sflag:$0x2], $0x1000, s8, s11, $0x20;
	[tilespmem:$0x4040] =	vst v63  }
.LBB1_6:
0x46: {  	_ =	sfence.sel $0x180000  }
0x47: {  	s2 =	simm.s32 $0x1;
	[bflag:$0x0] =	sbarrier.arrive $0xFFFF  }
0x48: {  	s31 =	simm.s32 $0x2;
	[sflag:s2] =	ssyncpa.u1 $0x1  }
0x49: {  	[sflag:s31] =	ssyncpa.u1 $0x1  }
0x4a: {  	p0 =	sne.s32 s1, $0x0;
	_ =	strace $0x90000050  }
0x4b: {  	s0 =	sadd.s32 @!p0 $0x100000, s0;
	[bflag:$0x2] =	sbarrier.arrive $0xFFFF  }
0x4c: {  	[sflag:s0] =	ssyncadd.tile.s32 @!p0 $0x1;
	_ =	shalt  }
.Lfunc_end1:
_tile_overlayer_lowered:
.L_overlay_start_2:
0x4d: {  	(tag) =	ssettag $0x2  }
0x4e: {  	s0 =	rddreg [dreg:$0x0];
	s2 =	stileid.u32  }
0x4f: {  	s1 =	rddreg [dreg:$0x1];
	p0 =	sne.s32 s2, $0x0  }
0x50: {  	s3 =	rddreg [dreg:$0x2];
	[bflag:$0x3] =	sbarrier.arrive $0xFFFF;
	s2 =	simm.s32 @!p0 $0x1C01  }
0x51: {  	[timem:s3], [sflag:s2] =	dma.local @!p0 [hbm:s0], s1  }
0x52: {  	s0 =	simm.s32 @!p0 $0x1  }
0x53: {  	_ =	swait.ge @!p0 [sflag:s0], s1  }
0x54: {  	s1 =	ssub.s32 @!p0 $0x0, s1;
	[sflag:s0] =	ssyncset.done @!p0 $0x0  }
0x55: {  	[sflag:s0] =	ssyncadd.s32 @!p0 s1  }
0x56: {  	[bflag:$0x3] =	sbarrier.arrive $0xFFFF  }
0x57: {  	_ =	shalt  }

</sc_bundles>
